<compile_context>
chip_gen: v7x
topology: tpu7x:2x2x1
jax: 0.10.2.dev20260603
libtpu: 0.0.44.dev20260713+nightly
codegen_flags: <defaults>
</compile_context>

<pallas_src>
import functools

import jax
import jax.numpy as jnp
from jax import lax
from jax.experimental import pallas as pl
from jax.experimental.pallas import tpu as pltpu
from jax.experimental.pallas import tpu_sc as plsc

LOOKUP = 101
PAD = (LOOKUP - 1) // 2
NBINS = 512
TPADDED = 256


def _bins_body(x_ref, out_ref):
  x = x_ref[0]
  r = x[:, 0]
  g = x[:, 1]
  b = x[:, 2]
  bins = ((r >> 5) << 6) + ((g >> 5) << 3) + (b >> 5)
  out_ref[0, :, :, : bins.shape[-1]] = bins


def _bins_kernel(frames_t, hb):
  B, H, C, Wd, T = frames_t.shape
  return pl.pallas_call(
      _bins_body,
      out_shape=jax.ShapeDtypeStruct((B, H, Wd, TPADDED), jnp.int32),
      grid=(B, H // hb),
      in_specs=[
          pl.BlockSpec((1, hb, C, Wd, T), lambda i, j: (i, j, 0, 0, 0)),
      ],
      out_specs=pl.BlockSpec((1, hb, Wd, TPADDED), lambda i, j: (i, j, 0, 0)),
  )(frames_t)


TCOLS = 208


def _hist_sc_kernel(B, T, H, Wd):
  info = plsc.get_sparse_core_info()
  nw = info.num_cores * info.num_subcores
  halves = nw // B
  assert H % halves == 0
  rows_per_w = H // halves
  n_full = T // 16
  half_w = Wd // 2
  halfw_words = half_w * TPADDED
  n_steps = rows_per_w * 2
  mesh = plsc.VectorSubcoreMesh(core_axis_name="c", subcore_axis_name="s")

  @functools.partial(
      pl.kernel,
      mesh=mesh,
      out_type=jax.ShapeDtypeStruct((nw, NBINS, TPADDED), jnp.float32),
      compiler_params=pltpu.CompilerParams(
          use_tc_tiling_on_sc=False, needs_layout_passes=False
      ),
      scratch_types=[
          pltpu.VMEM((2, halfw_words), jnp.int32),
          pltpu.VMEM((NBINS, TCOLS), jnp.float32),
          pltpu.SemaphoreType.DMA,
          pltpu.SemaphoreType.DMA,
      ],
  )
  def hist_kernel(bins_hbm, out_hbm, slab, hist, sem0, sem1):
    sems = (sem0, sem1)
    wid = lax.axis_index("s") * info.num_cores + lax.axis_index("c")
    b = wid // halves
    half = wid % halves
    ones = jnp.ones((16,), jnp.float32)
    zero16 = jnp.zeros((16,), jnp.float32)
    tconst = [lax.iota(jnp.int32, 16) + j * 16 for j in range(n_full + 1)]
    tail_mask = lax.iota(jnp.int32, 16) < (T - n_full * 16)

    def zero_body(j, carry):
      hist[j, pl.ds(0, 16)] = zero16
      for k in range(1, TCOLS // 16):
        hist[j, pl.ds(k * 16, 16)] = zero16
      return carry

    lax.fori_loop(0, NBINS, zero_body, 0)

    def src_slice(i):
      h = half * rows_per_w + i // 2
      base = ((b * H + h) * Wd + (i % 2) * half_w) * TPADDED
      return bins_hbm.at[pl.ds(base, halfw_words)]

    pltpu.async_copy(src_slice(0), slab.at[0], sems[0])
    pltpu.async_copy(src_slice(1), slab.at[1], sems[1])

    def step_body(g, carry):
      for bi in range(2):
        i = g * 2 + bi
        pltpu.make_async_copy(src_slice(0), slab.at[bi], sems[bi]).wait()

        @plsc.parallel_loop(0, half_w, 1, unroll=2)
        def pix_body(w):
          o = w * TPADDED
          for j in range(n_full):
            v = slab[bi, pl.ds(o + j * 16, 16)]
            plsc.addupdate_scatter(hist, [v, tconst[j]], ones)
          v = slab[bi, pl.ds(o + n_full * 16, 16)]
          plsc.addupdate_scatter(hist, [v, tconst[n_full]], ones,
                                 mask=tail_mask)

        @pl.when(i + 2 < n_steps)
        def _():
          pltpu.async_copy(src_slice(i + 2), slab.at[bi], sems[bi])

      return carry

    lax.fori_loop(0, n_steps // 2, step_body, 0)
    pltpu.sync_copy(hist, out_hbm.at[wid, :, pl.ds(0, TCOLS)])

  return hist_kernel


def _dense_body(h_ref, w_ref, b_ref, out_ref, *, t):
  xt = h_ref[0, 0, :, :t] + h_ref[0, 1, :, :t]
  ss = jnp.sum(xt * xt, axis=0, keepdims=True)
  xnt = xt / jnp.maximum(jnp.sqrt(ss), 1e-12)
  ii = lax.broadcasted_iota(jnp.int32, (t, t), 0)
  kk = lax.broadcasted_iota(jnp.int32, (t, t), 1)
  revp = jnp.where(ii + kk == t - 1, 1.0, 0.0).astype(jnp.float32)
  xnrt = lax.dot_general(
      xnt, revp, (((1,), (0,)), ((), ())), preferred_element_type=jnp.float32
  )
  srev = lax.dot_general(
      xnt,
      xnrt,
      (((0,), (0,)), ((), ())),
      preferred_element_type=jnp.float32,
  )
  wpad = 256
  pf = jnp.concatenate([jnp.zeros((t, wpad - t), jnp.float32), srev], axis=1)
  rolled = pltpu.roll(pf, 56, 1, stride=1, stride_axis=0)
  g = rolled[:, 5 : 5 + LOOKUP]
  o = lax.dot_general(
      g,
      w_ref[...],
      (((1,), (1,)), ((), ())),
      preferred_element_type=jnp.float32,
  )
  out_ref[0] = jnp.maximum(o + b_ref[...], 0.0)


@jax.jit
def kernel(frames, W, b):
  B, T, H, Wd, C = frames.shape

  frames_t = jnp.transpose(frames, (0, 2, 4, 3, 1))
  bins = _bins_kernel(frames_t, hb=12)
  partials = _hist_sc_kernel(B, T, H, Wd)(bins.reshape(-1))
  halves = 32 // B
  hist = partials.reshape(B, halves, NBINS, TPADDED)

  odim = W.shape[0]
  out = pl.pallas_call(
      functools.partial(_dense_body, t=T),
      out_shape=jax.ShapeDtypeStruct((B, T, odim), jnp.float32),
      grid=(B,),
      in_specs=[
          pl.BlockSpec((1, halves, NBINS, TPADDED), lambda i: (i, 0, 0, 0)),
          pl.BlockSpec((odim, LOOKUP), lambda i: (0, 0)),
          pl.BlockSpec((1, odim), lambda i: (0, 0)),
      ],
      out_specs=pl.BlockSpec((1, T, odim), lambda i: (i, 0, 0)),
  )(hist, W[:, ::-1], b.reshape(1, odim))
  return out

# --- scband reference (transcript-rebuilt; emitter-appended) ---
"""Pipeline reference for scband-color-histograms-41351945126516 (READ-ONLY COPY).

The authoritative reference and input builder live on the scoring server;
editing this copy changes nothing except your own understanding.
"""

import jax, jax.numpy as jnp
import numpy as np

LOOKUP_WINDOW = 101
OUTPUT_DIM = 128


def setup_inputs(seed: int = 0):
    key = jax.random.key(seed)
    k1, k2, k3 = jax.random.split(key, 3)
    frames = jax.random.randint(k1, (16, 200, 48, 48, 3), 0, 256, dtype=jnp.int32)
    W = jax.random.normal(k2, (OUTPUT_DIM, LOOKUP_WINDOW), dtype=jnp.float32) * (1.0 / np.sqrt(LOOKUP_WINDOW))
    b = jax.random.normal(k3, (OUTPUT_DIM,), dtype=jnp.float32) * 0.01
    return {"frames": frames, "W": W, "b": b}


def _compute_color_histograms(frames):
    frames = frames.astype(jnp.int32)
    B, T, H, Wd, C = frames.shape
    r = frames[..., 0] >> 5
    g = frames[..., 1] >> 5
    bl = frames[..., 2] >> 5
    binned = (r << 6) + (g << 3) + bl  # [B, T, H, Wd], values in [0, 512)
    flat = binned.reshape(B * T, H * Wd)
    prefix = (jnp.arange(B * T, dtype=jnp.int32) << 9)[:, None]
    vals = (flat + prefix).reshape(-1)
    hist = jnp.zeros(B * T * 512, dtype=jnp.int32).at[vals].add(jnp.ones(vals.shape[0], dtype=jnp.int32))
    hist = hist.reshape(B, T, 512).astype(jnp.float32)
    norm = jnp.sqrt(jnp.sum(hist * hist, axis=2, keepdims=True))
    hist = hist / jnp.maximum(norm, 1e-12)
    return hist


def reference(frames, W, b):
    x = _compute_color_histograms(frames)
    B, T = x.shape[0], x.shape[1]
    sim = jnp.einsum('btd,bsd->bts', x, x)  # [B, T, T]
    pad = (LOOKUP_WINDOW - 1) // 2
    simp = jnp.pad(sim, ((0, 0), (0, 0), (pad, pad)))
    ti = jnp.arange(T)[:, None]
    li = jnp.arange(LOOKUP_WINDOW)[None, :]
    idx = jnp.broadcast_to((ti + li)[None, :, :], (B, T, LOOKUP_WINDOW))
    gathered = jnp.take_along_axis(simp, idx, axis=2)  # [B, T, LOOKUP_WINDOW]
    out = jax.nn.relu(gathered @ W.T + b)
    return out

if __name__ == "__main__":
    import jax
    _d = setup_inputs()
    print(jax.jit(kernel)(*tuple(_d.values())))

</pallas_src>

<mosaic_0001>
#map = affine_map<(d0, d1) -> (0)>
#map1 = affine_map<(d0, d1) -> (0, 0, 0)>
module attributes {stable_mosaic.version = 14 : i64} {
  func.func @hist_kernel(%arg0: i32, %arg1: i32, %arg2: memref<9437184xi32, #tpu.memory_space<hbm>>, %arg3: memref<32x512x256xf32, #tpu.memory_space<hbm>>, %arg4: memref<2x6144xi32, #tpu.memory_space<vmem>>, %arg5: memref<512x208xf32, #tpu.memory_space<vmem>>, %arg6: memref<!tpu.dma_semaphore, #tpu.memory_space<semaphore_mem>>, %arg7: memref<!tpu.dma_semaphore, #tpu.memory_space<semaphore_mem>>) attributes {dimension_semantics = [#tpu.dimension_semantics<core_parallel>, #tpu.dimension_semantics<subcore_parallel>], iteration_bounds = array<i64: 2, 16>, scalar_prefetch = 0 : i64, scratch_operands = 4 : i64, tpu.core_type = #tpu.core_type<sc_vector_subcore>, window_params = [{transform_indices = #map}, {transform_indices = #map1}]} {
    %mul3A = arith.constant 2 : i32
    %mul3A_0 = arith.muli %arg1, %mul3A : i32
    %add3A = arith.addi %mul3A_0, %arg0 : i32
    %jit3A = arith.constant 2 : i32
    %div3A = arith.divsi %add3A, %jit3A : i32
    %sign3A = arith.constant 0 : i32
    %sign3A_1 = arith.cmpi sgt, %add3A, %sign3A : i32
    %sign3A_2 = arith.extui %sign3A_1 : i1 to i32
    %sign3A_3 = arith.constant 0 : i32
    %sign3A_4 = arith.cmpi slt, %add3A, %sign3A_3 : i32
    %sign3A_5 = arith.extui %sign3A_4 : i1 to i32
    %sign3A_6 = arith.subi %sign3A_2, %sign3A_5 : i32
    %sign3A_7 = arith.constant 0 : i32
    %sign3A_8 = arith.cmpi sgt, %jit3A, %sign3A_7 : i32
    %sign3A_9 = arith.extui %sign3A_8 : i1 to i32
    %sign3A_10 = arith.constant 0 : i32
    %sign3A_11 = arith.cmpi slt, %jit3A, %sign3A_10 : i32
    %sign3A_12 = arith.extui %sign3A_11 : i1 to i32
    %sign3A_13 = arith.subi %sign3A_9, %sign3A_12 : i32
    %ne3A = arith.cmpi ne, %sign3A_6, %sign3A_13 : i32
    %rem3A = arith.remsi %add3A, %jit3A : i32
    %ne3A_14 = arith.constant 0 : i32
    %ne3A_15 = arith.cmpi ne, %rem3A, %ne3A_14 : i32
    %and3A = arith.andi %ne3A, %ne3A_15 : i1
    %sub3A = arith.constant 1 : i32
    %sub3A_16 = arith.subi %div3A, %sub3A : i32
    %select_n3A = arith.select %and3A, %sub3A_16, %div3A : i32
    %jit3A_17 = arith.constant 2 : i32
    %eq3A = arith.constant 0 : i32
    %eq3A_18 = arith.cmpi eq, %jit3A_17, %eq3A : i32
    %jit3A_19 = arith.constant 1 : i32
    %select_n3A_20 = arith.select %eq3A_18, %jit3A_19, %jit3A_17 : i32
    %rem3A_21 = arith.remsi %add3A, %select_n3A_20 : i32
    %ne3A_22 = arith.constant 0 : i32
    %ne3A_23 = arith.cmpi ne, %rem3A_21, %ne3A_22 : i32
    %lt3A = arith.constant 0 : i32
    %lt3A_24 = arith.cmpi slt, %rem3A_21, %lt3A : i32
    %lt3A_25 = arith.constant 0 : i32
    %lt3A_26 = arith.cmpi slt, %select_n3A_20, %lt3A_25 : i32
    %ne3A_27 = arith.xori %lt3A_24, %lt3A_26 : i1
    %and3A_28 = arith.andi %ne3A_27, %ne3A_23 : i1
    %add3A_29 = arith.addi %rem3A_21, %select_n3A_20 : i32
    %select_n3A_30 = arith.select %and3A_28, %add3A_29, %rem3A_21 : i32
    %broadcast_in_dim3A = arith.constant 1.000000e+00 : f32
    %broadcast_in_dim3A_31 = vector.broadcast %broadcast_in_dim3A : f32 to vector<16xf32>
    %broadcast_in_dim3A_32 = arith.constant 0.000000e+00 : f32
    %broadcast_in_dim3A_33 = vector.broadcast %broadcast_in_dim3A_32 : f32 to vector<16xf32>
    %iota3A = tpu.iota {dimensions = array<i32: 0>} : vector<16xi32>
    %add3A_34 = arith.constant 0 : i32
    %add3A_35 = vector.broadcast %add3A_34 : i32 to vector<16xi32>
    %add3A_36 = arith.addi %iota3A, %add3A_35 : vector<16xi32>
    %iota3A_37 = tpu.iota {dimensions = array<i32: 0>} : vector<16xi32>
    %add3A_38 = arith.constant 16 : i32
    %add3A_39 = vector.broadcast %add3A_38 : i32 to vector<16xi32>
    %add3A_40 = arith.addi %iota3A_37, %add3A_39 : vector<16xi32>
    %iota3A_41 = tpu.iota {dimensions = array<i32: 0>} : vector<16xi32>
    %add3A_42 = arith.constant 32 : i32
    %add3A_43 = vector.broadcast %add3A_42 : i32 to vector<16xi32>
    %add3A_44 = arith.addi %iota3A_41, %add3A_43 : vector<16xi32>
    %iota3A_45 = tpu.iota {dimensions = array<i32: 0>} : vector<16xi32>
    %add3A_46 = arith.constant 48 : i32
    %add3A_47 = vector.broadcast %add3A_46 : i32 to vector<16xi32>
    %add3A_48 = arith.addi %iota3A_45, %add3A_47 : vector<16xi32>
    %iota3A_49 = tpu.iota {dimensions = array<i32: 0>} : vector<16xi32>
    %add3A_50 = arith.constant 64 : i32
    %add3A_51 = vector.broadcast %add3A_50 : i32 to vector<16xi32>
    %add3A_52 = arith.addi %iota3A_49, %add3A_51 : vector<16xi32>
    %iota3A_53 = tpu.iota {dimensions = array<i32: 0>} : vector<16xi32>
    %add3A_54 = arith.constant 80 : i32
    %add3A_55 = vector.broadcast %add3A_54 : i32 to vector<16xi32>
    %add3A_56 = arith.addi %iota3A_53, %add3A_55 : vector<16xi32>
    %iota3A_57 = tpu.iota {dimensions = array<i32: 0>} : vector<16xi32>
    %add3A_58 = arith.constant 96 : i32
    %add3A_59 = vector.broadcast %add3A_58 : i32 to vector<16xi32>
    %add3A_60 = arith.addi %iota3A_57, %add3A_59 : vector<16xi32>
    %iota3A_61 = tpu.iota {dimensions = array<i32: 0>} : vector<16xi32>
    %add3A_62 = arith.constant 112 : i32
    %add3A_63 = vector.broadcast %add3A_62 : i32 to vector<16xi32>
    %add3A_64 = arith.addi %iota3A_61, %add3A_63 : vector<16xi32>
    %iota3A_65 = tpu.iota {dimensions = array<i32: 0>} : vector<16xi32>
    %add3A_66 = arith.constant 128 : i32
    %add3A_67 = vector.broadcast %add3A_66 : i32 to vector<16xi32>
    %add3A_68 = arith.addi %iota3A_65, %add3A_67 : vector<16xi32>
    %iota3A_69 = tpu.iota {dimensions = array<i32: 0>} : vector<16xi32>
    %add3A_70 = arith.constant 144 : i32
    %add3A_71 = vector.broadcast %add3A_70 : i32 to vector<16xi32>
    %add3A_72 = arith.addi %iota3A_69, %add3A_71 : vector<16xi32>
    %iota3A_73 = tpu.iota {dimensions = array<i32: 0>} : vector<16xi32>
    %add3A_74 = arith.constant 160 : i32
    %add3A_75 = vector.broadcast %add3A_74 : i32 to vector<16xi32>
    %add3A_76 = arith.addi %iota3A_73, %add3A_75 : vector<16xi32>
    %iota3A_77 = tpu.iota {dimensions = array<i32: 0>} : vector<16xi32>
    %add3A_78 = arith.constant 176 : i32
    %add3A_79 = vector.broadcast %add3A_78 : i32 to vector<16xi32>
    %add3A_80 = arith.addi %iota3A_77, %add3A_79 : vector<16xi32>
    %iota3A_81 = tpu.iota {dimensions = array<i32: 0>} : vector<16xi32>
    %add3A_82 = arith.constant 192 : i32
    %add3A_83 = vector.broadcast %add3A_82 : i32 to vector<16xi32>
    %add3A_84 = arith.addi %iota3A_81, %add3A_83 : vector<16xi32>
    %iota3A_85 = tpu.iota {dimensions = array<i32: 0>} : vector<16xi32>
    %lt3A_86 = arith.constant 8 : i32
    %lt3A_87 = vector.broadcast %lt3A_86 : i32 to vector<16xi32>
    %lt3A_88 = arith.cmpi slt, %iota3A_85, %lt3A_87 : vector<16xi32>
    %scan3A = arith.constant 0 : i32
    %scan3A_89 = arith.constant 0 : i32
    %scan3A_90 = arith.constant 512 : i32
    %scan3A_91 = arith.addi %scan3A_89, %scan3A_90 : i32
    %scan3A_92 = arith.constant 1 : i32
    scf.for %scan3A_143 = %scan3A_89 to %scan3A_91 step %scan3A_92  : i32 {
      %swap3A = arith.index_cast %scan3A_143 : i32 to index
      %swap3A_144 = arith.constant 0 : index
      %swap3A_145 = tpu.vector_load %arg5[%swap3A, %swap3A_144] {strides = array<i32>} : memref<512x208xf32, #tpu.memory_space<vmem>>, vector<16xf32>,
      tpu.vector_store %arg5[%swap3A, %swap3A_144], %broadcast_in_dim3A_33 {strides = array<i32>} : memref<512x208xf32, #tpu.memory_space<vmem>>, vector<16xf32>,
      %swap3A_146 = arith.index_cast %scan3A_143 : i32 to index
      %swap3A_147 = arith.constant 16 : index
      %swap3A_148 = tpu.vector_load %arg5[%swap3A_146, %swap3A_147] {strides = array<i32>} : memref<512x208xf32, #tpu.memory_space<vmem>>, vector<16xf32>,
      tpu.vector_store %arg5[%swap3A_146, %swap3A_147], %broadcast_in_dim3A_33 {strides = array<i32>} : memref<512x208xf32, #tpu.memory_space<vmem>>, vector<16xf32>,
      %swap3A_149 = arith.index_cast %scan3A_143 : i32 to index
      %swap3A_150 = arith.constant 32 : index
      %swap3A_151 = tpu.vector_load %arg5[%swap3A_149, %swap3A_150] {strides = array<i32>} : memref<512x208xf32, #tpu.memory_space<vmem>>, vector<16xf32>,
      tpu.vector_store %arg5[%swap3A_149, %swap3A_150], %broadcast_in_dim3A_33 {strides = array<i32>} : memref<512x208xf32, #tpu.memory_space<vmem>>, vector<16xf32>,
      %swap3A_152 = arith.index_cast %scan3A_143 : i32 to index
      %swap3A_153 = arith.constant 48 : index
      %swap3A_154 = tpu.vector_load %arg5[%swap3A_152, %swap3A_153] {strides = array<i32>} : memref<512x208xf32, #tpu.memory_space<vmem>>, vector<16xf32>,
      tpu.vector_store %arg5[%swap3A_152, %swap3A_153], %broadcast_in_dim3A_33 {strides = array<i32>} : memref<512x208xf32, #tpu.memory_space<vmem>>, vector<16xf32>,
      %swap3A_155 = arith.index_cast %scan3A_143 : i32 to index
      %swap3A_156 = arith.constant 64 : index
      %swap3A_157 = tpu.vector_load %arg5[%swap3A_155, %swap3A_156] {strides = array<i32>} : memref<512x208xf32, #tpu.memory_space<vmem>>, vector<16xf32>,
      tpu.vector_store %arg5[%swap3A_155, %swap3A_156], %broadcast_in_dim3A_33 {strides = array<i32>} : memref<512x208xf32, #tpu.memory_space<vmem>>, vector<16xf32>,
      %swap3A_158 = arith.index_cast %scan3A_143 : i32 to index
      %swap3A_159 = arith.constant 80 : index
      %swap3A_160 = tpu.vector_load %arg5[%swap3A_158, %swap3A_159] {strides = array<i32>} : memref<512x208xf32, #tpu.memory_space<vmem>>, vector<16xf32>,
      tpu.vector_store %arg5[%swap3A_158, %swap3A_159], %broadcast_in_dim3A_33 {strides = array<i32>} : memref<512x208xf32, #tpu.memory_space<vmem>>, vector<16xf32>,
      %swap3A_161 = arith.index_cast %scan3A_143 : i32 to index
      %swap3A_162 = arith.constant 96 : index
      %swap3A_163 = tpu.vector_load %arg5[%swap3A_161, %swap3A_162] {strides = array<i32>} : memref<512x208xf32, #tpu.memory_space<vmem>>, vector<16xf32>,
      tpu.vector_store %arg5[%swap3A_161, %swap3A_162], %broadcast_in_dim3A_33 {strides = array<i32>} : memref<512x208xf32, #tpu.memory_space<vmem>>, vector<16xf32>,
      %swap3A_164 = arith.index_cast %scan3A_143 : i32 to index
      %swap3A_165 = arith.constant 112 : index
      %swap3A_166 = tpu.vector_load %arg5[%swap3A_164, %swap3A_165] {strides = array<i32>} : memref<512x208xf32, #tpu.memory_space<vmem>>, vector<16xf32>,
      tpu.vector_store %arg5[%swap3A_164, %swap3A_165], %broadcast_in_dim3A_33 {strides = array<i32>} : memref<512x208xf32, #tpu.memory_space<vmem>>, vector<16xf32>,
      %swap3A_167 = arith.index_cast %scan3A_143 : i32 to index
      %swap3A_168 = arith.constant 128 : index
      %swap3A_169 = tpu.vector_load %arg5[%swap3A_167, %swap3A_168] {strides = array<i32>} : memref<512x208xf32, #tpu.memory_space<vmem>>, vector<16xf32>,
      tpu.vector_store %arg5[%swap3A_167, %swap3A_168], %broadcast_in_dim3A_33 {strides = array<i32>} : memref<512x208xf32, #tpu.memory_space<vmem>>, vector<16xf32>,
      %swap3A_170 = arith.index_cast %scan3A_143 : i32 to index
      %swap3A_171 = arith.constant 144 : index
      %swap3A_172 = tpu.vector_load %arg5[%swap3A_170, %swap3A_171] {strides = array<i32>} : memref<512x208xf32, #tpu.memory_space<vmem>>, vector<16xf32>,
      tpu.vector_store %arg5[%swap3A_170, %swap3A_171], %broadcast_in_dim3A_33 {strides = array<i32>} : memref<512x208xf32, #tpu.memory_space<vmem>>, vector<16xf32>,
      %swap3A_173 = arith.index_cast %scan3A_143 : i32 to index
      %swap3A_174 = arith.constant 160 : index
      %swap3A_175 = tpu.vector_load %arg5[%swap3A_173, %swap3A_174] {strides = array<i32>} : memref<512x208xf32, #tpu.memory_space<vmem>>, vector<16xf32>,
      tpu.vector_store %arg5[%swap3A_173, %swap3A_174], %broadcast_in_dim3A_33 {strides = array<i32>} : memref<512x208xf32, #tpu.memory_space<vmem>>, vector<16xf32>,
      %swap3A_176 = arith.index_cast %scan3A_143 : i32 to index
      %swap3A_177 = arith.constant 176 : index
      %swap3A_178 = tpu.vector_load %arg5[%swap3A_176, %swap3A_177] {strides = array<i32>} : memref<512x208xf32, #tpu.memory_space<vmem>>, vector<16xf32>,
      tpu.vector_store %arg5[%swap3A_176, %swap3A_177], %broadcast_in_dim3A_33 {strides = array<i32>} : memref<512x208xf32, #tpu.memory_space<vmem>>, vector<16xf32>,
      %swap3A_179 = arith.index_cast %scan3A_143 : i32 to index
      %swap3A_180 = arith.constant 192 : index
      %swap3A_181 = tpu.vector_load %arg5[%swap3A_179, %swap3A_180] {strides = array<i32>} : memref<512x208xf32, #tpu.memory_space<vmem>>, vector<16xf32>,
      tpu.vector_store %arg5[%swap3A_179, %swap3A_180], %broadcast_in_dim3A_33 {strides = array<i32>} : memref<512x208xf32, #tpu.memory_space<vmem>>, vector<16xf32>,
    }
    %scan3A_93 = arith.constant 512 : i32
    %mul3A_94 = arith.constant 24 : i32
    %mul3A_95 = arith.muli %select_n3A_30, %mul3A_94 : i32
    %add3A_96 = arith.constant 0 : i32
    %add3A_97 = arith.addi %mul3A_95, %add3A_96 : i32
    %mul3A_98 = arith.constant 48 : i32
    %mul3A_99 = arith.muli %select_n3A, %mul3A_98 : i32
    %add3A_100 = arith.addi %mul3A_99, %add3A_97 : i32
    %mul3A_101 = arith.constant 48 : i32
    %mul3A_102 = arith.muli %add3A_100, %mul3A_101 : i32
    %add3A_103 = arith.constant 0 : i32
    %add3A_104 = arith.addi %mul3A_102, %add3A_103 : i32
    %mul3A_105 = arith.constant 256 : i32
    %mul3A_106 = arith.muli %add3A_104, %mul3A_105 : i32
    %dma_start3A = arith.constant 0 : i32
    %dma_start3A_107 = arith.constant 0 : i32
    %dma_start3A_108 = tpu.memref_slice %arg4[%dma_start3A, %dma_start3A_107] : memref<2x6144xi32, #tpu.memory_space<vmem>> -> memref<1x6144xi32, #tpu.memory_space<vmem>>
    %dma_start3A_109 = tpu.memref_squeeze %dma_start3A_108 : memref<1x6144xi32, #tpu.memory_space<vmem>> -> memref<6144xi32, #tpu.memory_space<vmem>>
    %dma_start3A_110 = tpu.memref_slice %arg2[%mul3A_106] : memref<9437184xi32, #tpu.memory_space<hbm>> -> memref<6144xi32, #tpu.memory_space<hbm>>
    %dma_start3A_111 = arith.constant 0 : i32
    %dma_start3A_112 = tpu.memref_slice %arg4[%dma_start3A, %dma_start3A_111] : memref<2x6144xi32, #tpu.memory_space<vmem>> -> memref<1x6144xi32, #tpu.memory_space<vmem>>
    %dma_start3A_113 = tpu.memref_squeeze %dma_start3A_112 : memref<1x6144xi32, #tpu.memory_space<vmem>> -> memref<6144xi32, #tpu.memory_space<vmem>>
    %dma_start3A_114 = tpu.memref_slice %arg2[%mul3A_106] : memref<9437184xi32, #tpu.memory_space<hbm>> -> memref<6144xi32, #tpu.memory_space<hbm>>
    tpu.enqueue_dma source(%dma_start3A_114 : memref<6144xi32, #tpu.memory_space<hbm>>) target(%dma_start3A_113 : memref<6144xi32, #tpu.memory_space<vmem>>) target_semaphore(%arg6 : memref<!tpu.dma_semaphore, #tpu.memory_space<semaphore_mem>>)
    %mul3A_115 = arith.constant 24 : i32
    %mul3A_116 = arith.muli %select_n3A_30, %mul3A_115 : i32
    %add3A_117 = arith.constant 0 : i32
    %add3A_118 = arith.addi %mul3A_116, %add3A_117 : i32
    %mul3A_119 = arith.constant 48 : i32
    %mul3A_120 = arith.muli %select_n3A, %mul3A_119 : i32
    %add3A_121 = arith.addi %mul3A_120, %add3A_118 : i32
    %mul3A_122 = arith.constant 48 : i32
    %mul3A_123 = arith.muli %add3A_121, %mul3A_122 : i32
    %add3A_124 = arith.constant 24 : i32
    %add3A_125 = arith.addi %mul3A_123, %add3A_124 : i32
    %mul3A_126 = arith.constant 256 : i32
    %mul3A_127 = arith.muli %add3A_125, %mul3A_126 : i32
    %dma_start3A_128 = arith.constant 1 : i32
    %dma_start3A_129 = arith.constant 0 : i32
    %dma_start3A_130 = tpu.memref_slice %arg4[%dma_start3A_128, %dma_start3A_129] : memref<2x6144xi32, #tpu.memory_space<vmem>> -> memref<1x6144xi32, #tpu.memory_space<vmem>>
    %dma_start3A_131 = tpu.memref_squeeze %dma_start3A_130 : memref<1x6144xi32, #tpu.memory_space<vmem>> -> memref<6144xi32, #tpu.memory_space<vmem>>
    %dma_start3A_132 = tpu.memref_slice %arg2[%mul3A_127] : memref<9437184xi32, #tpu.memory_space<hbm>> -> memref<6144xi32, #tpu.memory_space<hbm>>
    %dma_start3A_133 = arith.constant 0 : i32
    %dma_start3A_134 = tpu.memref_slice %arg4[%dma_start3A_128, %dma_start3A_133] : memref<2x6144xi32, #tpu.memory_space<vmem>> -> memref<1x6144xi32, #tpu.memory_space<vmem>>
    %dma_start3A_135 = tpu.memref_squeeze %dma_start3A_134 : memref<1x6144xi32, #tpu.memory_space<vmem>> -> memref<6144xi32, #tpu.memory_space<vmem>>
    %dma_start3A_136 = tpu.memref_slice %arg2[%mul3A_127] : memref<9437184xi32, #tpu.memory_space<hbm>> -> memref<6144xi32, #tpu.memory_space<hbm>>
    tpu.enqueue_dma source(%dma_start3A_136 : memref<6144xi32, #tpu.memory_space<hbm>>) target(%dma_start3A_135 : memref<6144xi32, #tpu.memory_space<vmem>>) target_semaphore(%arg7 : memref<!tpu.dma_semaphore, #tpu.memory_space<semaphore_mem>>)
    %scan3A_137 = arith.constant 0 : i32
    %scan3A_138 = arith.constant 0 : i32
    %scan3A_139 = arith.constant 24 : i32
    %scan3A_140 = arith.addi %scan3A_138, %scan3A_139 : i32
    %scan3A_141 = arith.constant 1 : i32
    scf.for %scan3A_143 = %scan3A_138 to %scan3A_140 step %scan3A_141  : i32 {
      %mul3A_144 = arith.constant 2 : i32
      %mul3A_145 = arith.muli %scan3A_143, %mul3A_144 : i32
      %add3A_146 = arith.constant 0 : i32
      %add3A_147 = arith.addi %mul3A_145, %add3A_146 : i32
      %mul3A_148 = arith.constant 24 : i32
      %mul3A_149 = arith.muli %select_n3A_30, %mul3A_148 : i32
      %add3A_150 = arith.constant 0 : i32
      %add3A_151 = arith.addi %mul3A_149, %add3A_150 : i32
      %mul3A_152 = arith.constant 48 : i32
      %mul3A_153 = arith.muli %select_n3A, %mul3A_152 : i32
      %add3A_154 = arith.addi %mul3A_153, %add3A_151 : i32
      %mul3A_155 = arith.constant 48 : i32
      %mul3A_156 = arith.muli %add3A_154, %mul3A_155 : i32
      %add3A_157 = arith.constant 0 : i32
      %add3A_158 = arith.addi %mul3A_156, %add3A_157 : i32
      %mul3A_159 = arith.constant 256 : i32
      %mul3A_160 = arith.muli %add3A_158, %mul3A_159 : i32
      %dma_wait3A = arith.constant 0 : i32
      %dma_wait3A_161 = arith.constant 0 : i32
      %dma_wait3A_162 = tpu.memref_slice %arg4[%dma_wait3A, %dma_wait3A_161] : memref<2x6144xi32, #tpu.memory_space<vmem>> -> memref<1x6144xi32, #tpu.memory_space<vmem>>
      %dma_wait3A_163 = tpu.memref_squeeze %dma_wait3A_162 : memref<1x6144xi32, #tpu.memory_space<vmem>> -> memref<6144xi32, #tpu.memory_space<vmem>>
      %dma_wait3A_164 = tpu.memref_slice %arg2[%mul3A_160] : memref<9437184xi32, #tpu.memory_space<hbm>> -> memref<6144xi32, #tpu.memory_space<hbm>>
      %dma_wait3A_165 = arith.constant 0 : i32
      %dma_wait3A_166 = tpu.memref_slice %arg4[%dma_wait3A, %dma_wait3A_165] : memref<2x6144xi32, #tpu.memory_space<vmem>> -> memref<1x6144xi32, #tpu.memory_space<vmem>>
      %dma_wait3A_167 = tpu.memref_squeeze %dma_wait3A_166 : memref<1x6144xi32, #tpu.memory_space<vmem>> -> memref<6144xi32, #tpu.memory_space<vmem>>
      %dma_wait3A_168 = tpu.memref_slice %arg2[%mul3A_160] : memref<9437184xi32, #tpu.memory_space<hbm>> -> memref<6144xi32, #tpu.memory_space<hbm>>
      tpu.wait_dma2 semaphore(%arg6 : memref<!tpu.dma_semaphore, #tpu.memory_space<semaphore_mem>>) src(%dma_wait3A_168 : memref<6144xi32, #tpu.memory_space<hbm>>) dst(%dma_wait3A_167 : memref<6144xi32, #tpu.memory_space<vmem>>)
      %parallel_loop3A = arith.constant 0 : i32
      %parallel_loop3A_169 = arith.constant 24 : i32
      %parallel_loop3A_170 = arith.constant 1 : i32
      scf.for %parallel_loop3A_212 = %parallel_loop3A to %parallel_loop3A_169 step %parallel_loop3A_170  : i32 {
        %parallel_loop3A_213 = arith.constant 256 : i32
        %parallel_loop3A_214 = arith.muli %parallel_loop3A_212, %parallel_loop3A_213 : i32
        %parallel_loop3A_215 = arith.constant 0 : i32
        %parallel_loop3A_216 = arith.addi %parallel_loop3A_214, %parallel_loop3A_215 : i32
        %parallel_loop3A_217 = arith.constant 0 : i32
        %parallel_loop3A_218 = arith.index_cast %parallel_loop3A_217 : i32 to index
        %parallel_loop3A_219 = arith.index_cast %parallel_loop3A_216 : i32 to index
        %parallel_loop3A_220 = tpu.vector_load %arg4[%parallel_loop3A_218, %parallel_loop3A_219] {strides = array<i32>} : memref<2x6144xi32, #tpu.memory_space<vmem>>, vector<16xi32>,
        tpu.vector_store_idx %arg5[%parallel_loop3A_220, %add3A_36], %broadcast_in_dim3A_31 {add = true} : memref<512x208xf32, #tpu.memory_space<vmem>>[vector<16xi32>, vector<16xi32>], vector<16xf32>,
        %parallel_loop3A_221 = arith.constant 16 : i32
        %parallel_loop3A_222 = arith.addi %parallel_loop3A_214, %parallel_loop3A_221 : i32
        %parallel_loop3A_223 = arith.constant 0 : i32
        %parallel_loop3A_224 = arith.index_cast %parallel_loop3A_223 : i32 to index
        %parallel_loop3A_225 = arith.index_cast %parallel_loop3A_222 : i32 to index
        %parallel_loop3A_226 = tpu.vector_load %arg4[%parallel_loop3A_224, %parallel_loop3A_225] {strides = array<i32>} : memref<2x6144xi32, #tpu.memory_space<vmem>>, vector<16xi32>,
        tpu.vector_store_idx %arg5[%parallel_loop3A_226, %add3A_40], %broadcast_in_dim3A_31 {add = true} : memref<512x208xf32, #tpu.memory_space<vmem>>[vector<16xi32>, vector<16xi32>], vector<16xf32>,
        %parallel_loop3A_227 = arith.constant 32 : i32
        %parallel_loop3A_228 = arith.addi %parallel_loop3A_214, %parallel_loop3A_227 : i32
        %parallel_loop3A_229 = arith.constant 0 : i32
        %parallel_loop3A_230 = arith.index_cast %parallel_loop3A_229 : i32 to index
        %parallel_loop3A_231 = arith.index_cast %parallel_loop3A_228 : i32 to index
        %parallel_loop3A_232 = tpu.vector_load %arg4[%parallel_loop3A_230, %parallel_loop3A_231] {strides = array<i32>} : memref<2x6144xi32, #tpu.memory_space<vmem>>, vector<16xi32>,
        tpu.vector_store_idx %arg5[%parallel_loop3A_232, %add3A_44], %broadcast_in_dim3A_31 {add = true} : memref<512x208xf32, #tpu.memory_space<vmem>>[vector<16xi32>, vector<16xi32>], vector<16xf32>,
        %parallel_loop3A_233 = arith.constant 48 : i32
        %parallel_loop3A_234 = arith.addi %parallel_loop3A_214, %parallel_loop3A_233 : i32
        %parallel_loop3A_235 = arith.constant 0 : i32
        %parallel_loop3A_236 = arith.index_cast %parallel_loop3A_235 : i32 to index
        %parallel_loop3A_237 = arith.index_cast %parallel_loop3A_234 : i32 to index
        %parallel_loop3A_238 = tpu.vector_load %arg4[%parallel_loop3A_236, %parallel_loop3A_237] {strides = array<i32>} : memref<2x6144xi32, #tpu.memory_space<vmem>>, vector<16xi32>,
        tpu.vector_store_idx %arg5[%parallel_loop3A_238, %add3A_48], %broadcast_in_dim3A_31 {add = true} : memref<512x208xf32, #tpu.memory_space<vmem>>[vector<16xi32>, vector<16xi32>], vector<16xf32>,
        %parallel_loop3A_239 = arith.constant 64 : i32
        %parallel_loop3A_240 = arith.addi %parallel_loop3A_214, %parallel_loop3A_239 : i32
        %parallel_loop3A_241 = arith.constant 0 : i32
        %parallel_loop3A_242 = arith.index_cast %parallel_loop3A_241 : i32 to index
        %parallel_loop3A_243 = arith.index_cast %parallel_loop3A_240 : i32 to index
        %parallel_loop3A_244 = tpu.vector_load %arg4[%parallel_loop3A_242, %parallel_loop3A_243] {strides = array<i32>} : memref<2x6144xi32, #tpu.memory_space<vmem>>, vector<16xi32>,
        tpu.vector_store_idx %arg5[%parallel_loop3A_244, %add3A_52], %broadcast_in_dim3A_31 {add = true} : memref<512x208xf32, #tpu.memory_space<vmem>>[vector<16xi32>, vector<16xi32>], vector<16xf32>,
        %parallel_loop3A_245 = arith.constant 80 : i32
        %parallel_loop3A_246 = arith.addi %parallel_loop3A_214, %parallel_loop3A_245 : i32
        %parallel_loop3A_247 = arith.constant 0 : i32
        %parallel_loop3A_248 = arith.index_cast %parallel_loop3A_247 : i32 to index
        %parallel_loop3A_249 = arith.index_cast %parallel_loop3A_246 : i32 to index
        %parallel_loop3A_250 = tpu.vector_load %arg4[%parallel_loop3A_248, %parallel_loop3A_249] {strides = array<i32>} : memref<2x6144xi32, #tpu.memory_space<vmem>>, vector<16xi32>,
        tpu.vector_store_idx %arg5[%parallel_loop3A_250, %add3A_56], %broadcast_in_dim3A_31 {add = true} : memref<512x208xf32, #tpu.memory_space<vmem>>[vector<16xi32>, vector<16xi32>], vector<16xf32>,
        %parallel_loop3A_251 = arith.constant 96 : i32
        %parallel_loop3A_252 = arith.addi %parallel_loop3A_214, %parallel_loop3A_251 : i32
        %parallel_loop3A_253 = arith.constant 0 : i32
        %parallel_loop3A_254 = arith.index_cast %parallel_loop3A_253 : i32 to index
        %parallel_loop3A_255 = arith.index_cast %parallel_loop3A_252 : i32 to index
        %parallel_loop3A_256 = tpu.vector_load %arg4[%parallel_loop3A_254, %parallel_loop3A_255] {strides = array<i32>} : memref<2x6144xi32, #tpu.memory_space<vmem>>, vector<16xi32>,
        tpu.vector_store_idx %arg5[%parallel_loop3A_256, %add3A_60], %broadcast_in_dim3A_31 {add = true} : memref<512x208xf32, #tpu.memory_space<vmem>>[vector<16xi32>, vector<16xi32>], vector<16xf32>,
        %parallel_loop3A_257 = arith.constant 112 : i32
        %parallel_loop3A_258 = arith.addi %parallel_loop3A_214, %parallel_loop3A_257 : i32
        %parallel_loop3A_259 = arith.constant 0 : i32
        %parallel_loop3A_260 = arith.index_cast %parallel_loop3A_259 : i32 to index
        %parallel_loop3A_261 = arith.index_cast %parallel_loop3A_258 : i32 to index
        %parallel_loop3A_262 = tpu.vector_load %arg4[%parallel_loop3A_260, %parallel_loop3A_261] {strides = array<i32>} : memref<2x6144xi32, #tpu.memory_space<vmem>>, vector<16xi32>,
        tpu.vector_store_idx %arg5[%parallel_loop3A_262, %add3A_64], %broadcast_in_dim3A_31 {add = true} : memref<512x208xf32, #tpu.memory_space<vmem>>[vector<16xi32>, vector<16xi32>], vector<16xf32>,
        %parallel_loop3A_263 = arith.constant 128 : i32
        %parallel_loop3A_264 = arith.addi %parallel_loop3A_214, %parallel_loop3A_263 : i32
        %parallel_loop3A_265 = arith.constant 0 : i32
        %parallel_loop3A_266 = arith.index_cast %parallel_loop3A_265 : i32 to index
        %parallel_loop3A_267 = arith.index_cast %parallel_loop3A_264 : i32 to index
        %parallel_loop3A_268 = tpu.vector_load %arg4[%parallel_loop3A_266, %parallel_loop3A_267] {strides = array<i32>} : memref<2x6144xi32, #tpu.memory_space<vmem>>, vector<16xi32>,
        tpu.vector_store_idx %arg5[%parallel_loop3A_268, %add3A_68], %broadcast_in_dim3A_31 {add = true} : memref<512x208xf32, #tpu.memory_space<vmem>>[vector<16xi32>, vector<16xi32>], vector<16xf32>,
        %parallel_loop3A_269 = arith.constant 144 : i32
        %parallel_loop3A_270 = arith.addi %parallel_loop3A_214, %parallel_loop3A_269 : i32
        %parallel_loop3A_271 = arith.constant 0 : i32
        %parallel_loop3A_272 = arith.index_cast %parallel_loop3A_271 : i32 to index
        %parallel_loop3A_273 = arith.index_cast %parallel_loop3A_270 : i32 to index
        %parallel_loop3A_274 = tpu.vector_load %arg4[%parallel_loop3A_272, %parallel_loop3A_273] {strides = array<i32>} : memref<2x6144xi32, #tpu.memory_space<vmem>>, vector<16xi32>,
        tpu.vector_store_idx %arg5[%parallel_loop3A_274, %add3A_72], %broadcast_in_dim3A_31 {add = true} : memref<512x208xf32, #tpu.memory_space<vmem>>[vector<16xi32>, vector<16xi32>], vector<16xf32>,
        %parallel_loop3A_275 = arith.constant 160 : i32
        %parallel_loop3A_276 = arith.addi %parallel_loop3A_214, %parallel_loop3A_275 : i32
        %parallel_loop3A_277 = arith.constant 0 : i32
        %parallel_loop3A_278 = arith.index_cast %parallel_loop3A_277 : i32 to index
        %parallel_loop3A_279 = arith.index_cast %parallel_loop3A_276 : i32 to index
        %parallel_loop3A_280 = tpu.vector_load %arg4[%parallel_loop3A_278, %parallel_loop3A_279] {strides = array<i32>} : memref<2x6144xi32, #tpu.memory_space<vmem>>, vector<16xi32>,
        tpu.vector_store_idx %arg5[%parallel_loop3A_280, %add3A_76], %broadcast_in_dim3A_31 {add = true} : memref<512x208xf32, #tpu.memory_space<vmem>>[vector<16xi32>, vector<16xi32>], vector<16xf32>,
        %parallel_loop3A_281 = arith.constant 176 : i32
        %parallel_loop3A_282 = arith.addi %parallel_loop3A_214, %parallel_loop3A_281 : i32
        %parallel_loop3A_283 = arith.constant 0 : i32
        %parallel_loop3A_284 = arith.index_cast %parallel_loop3A_283 : i32 to index
        %parallel_loop3A_285 = arith.index_cast %parallel_loop3A_282 : i32 to index
        %parallel_loop3A_286 = tpu.vector_load %arg4[%parallel_loop3A_284, %parallel_loop3A_285] {strides = array<i32>} : memref<2x6144xi32, #tpu.memory_space<vmem>>, vector<16xi32>,
        tpu.vector_store_idx %arg5[%parallel_loop3A_286, %add3A_80], %broadcast_in_dim3A_31 {add = true} : memref<512x208xf32, #tpu.memory_space<vmem>>[vector<16xi32>, vector<16xi32>], vector<16xf32>,
        %parallel_loop3A_287 = arith.constant 192 : i32
        %parallel_loop3A_288 = arith.addi %parallel_loop3A_214, %parallel_loop3A_287 : i32
        %parallel_loop3A_289 = arith.constant 0 : i32
        %parallel_loop3A_290 = arith.index_cast %parallel_loop3A_289 : i32 to index
        %parallel_loop3A_291 = arith.index_cast %parallel_loop3A_288 : i32 to index
        %parallel_loop3A_292 = tpu.vector_load %arg4[%parallel_loop3A_290, %parallel_loop3A_291] {strides = array<i32>} : memref<2x6144xi32, #tpu.memory_space<vmem>>, vector<16xi32>,
        tpu.vector_store_idx %arg5[%parallel_loop3A_292, %add3A_84], %broadcast_in_dim3A_31 masked %lt3A_88 {add = true} : memref<512x208xf32, #tpu.memory_space<vmem>>[vector<16xi32>, vector<16xi32>], vector<16xf32>, vector<16xi1>
      } {sc.loop_unroll_factor = 2 : i64, sc.parallel_access}
      %add3A_171 = arith.constant 2 : i32
      %add3A_172 = arith.addi %add3A_147, %add3A_171 : i32
      %lt3A_173 = arith.constant 48 : i32
      %lt3A_174 = arith.cmpi slt, %add3A_172, %lt3A_173 : i32
      %convert_element_type3A = arith.extui %lt3A_174 : i1 to i32
      %cond3A = arith.constant 0 : i32
      %cond3A_175 = arith.cmpi ne, %convert_element_type3A, %cond3A : i32
      scf.if %cond3A_175 {
        %add3A_212 = arith.constant 2 : i32
        %add3A_213 = arith.addi %add3A_147, %add3A_212 : i32
        %mul3A_214 = arith.constant 24 : i32
        %mul3A_215 = arith.muli %select_n3A_30, %mul3A_214 : i32
        %jit3A_216 = arith.constant 2 : i32
        %div3A_217 = arith.divsi %add3A_213, %jit3A_216 : i32
        %sign3A_218 = arith.constant 0 : i32
        %sign3A_219 = arith.cmpi sgt, %add3A_213, %sign3A_218 : i32
        %sign3A_220 = arith.extui %sign3A_219 : i1 to i32
        %sign3A_221 = arith.constant 0 : i32
        %sign3A_222 = arith.cmpi slt, %add3A_213, %sign3A_221 : i32
        %sign3A_223 = arith.extui %sign3A_222 : i1 to i32
        %sign3A_224 = arith.subi %sign3A_220, %sign3A_223 : i32
        %sign3A_225 = arith.constant 0 : i32
        %sign3A_226 = arith.cmpi sgt, %jit3A_216, %sign3A_225 : i32
        %sign3A_227 = arith.extui %sign3A_226 : i1 to i32
        %sign3A_228 = arith.constant 0 : i32
        %sign3A_229 = arith.cmpi slt, %jit3A_216, %sign3A_228 : i32
        %sign3A_230 = arith.extui %sign3A_229 : i1 to i32
        %sign3A_231 = arith.subi %sign3A_227, %sign3A_230 : i32
        %ne3A_232 = arith.cmpi ne, %sign3A_224, %sign3A_231 : i32
        %rem3A_233 = arith.remsi %add3A_213, %jit3A_216 : i32
        %ne3A_234 = arith.constant 0 : i32
        %ne3A_235 = arith.cmpi ne, %rem3A_233, %ne3A_234 : i32
        %and3A_236 = arith.andi %ne3A_232, %ne3A_235 : i1
        %sub3A_237 = arith.constant 1 : i32
        %sub3A_238 = arith.subi %div3A_217, %sub3A_237 : i32
        %select_n3A_239 = arith.select %and3A_236, %sub3A_238, %div3A_217 : i32
        %add3A_240 = arith.addi %mul3A_215, %select_n3A_239 : i32
        %mul3A_241 = arith.constant 48 : i32
        %mul3A_242 = arith.muli %select_n3A, %mul3A_241 : i32
        %add3A_243 = arith.addi %mul3A_242, %add3A_240 : i32
        %mul3A_244 = arith.constant 48 : i32
        %mul3A_245 = arith.muli %add3A_243, %mul3A_244 : i32
        %jit3A_246 = arith.constant 2 : i32
        %eq3A_247 = arith.constant 0 : i32
        %eq3A_248 = arith.cmpi eq, %jit3A_246, %eq3A_247 : i32
        %jit3A_249 = arith.constant 1 : i32
        %select_n3A_250 = arith.select %eq3A_248, %jit3A_249, %jit3A_246 : i32
        %rem3A_251 = arith.remsi %add3A_213, %select_n3A_250 : i32
        %ne3A_252 = arith.constant 0 : i32
        %ne3A_253 = arith.cmpi ne, %rem3A_251, %ne3A_252 : i32
        %lt3A_254 = arith.constant 0 : i32
        %lt3A_255 = arith.cmpi slt, %rem3A_251, %lt3A_254 : i32
        %lt3A_256 = arith.constant 0 : i32
        %lt3A_257 = arith.cmpi slt, %select_n3A_250, %lt3A_256 : i32
        %ne3A_258 = arith.xori %lt3A_255, %lt3A_257 : i1
        %and3A_259 = arith.andi %ne3A_258, %ne3A_253 : i1
        %add3A_260 = arith.addi %rem3A_251, %select_n3A_250 : i32
        %select_n3A_261 = arith.select %and3A_259, %add3A_260, %rem3A_251 : i32
        %mul3A_262 = arith.constant 24 : i32
        %mul3A_263 = arith.muli %select_n3A_261, %mul3A_262 : i32
        %add3A_264 = arith.addi %mul3A_245, %mul3A_263 : i32
        %mul3A_265 = arith.constant 256 : i32
        %mul3A_266 = arith.muli %add3A_264, %mul3A_265 : i32
        %dma_start3A_267 = arith.constant 0 : i32
        %dma_start3A_268 = arith.constant 0 : i32
        %dma_start3A_269 = tpu.memref_slice %arg4[%dma_start3A_267, %dma_start3A_268] : memref<2x6144xi32, #tpu.memory_space<vmem>> -> memref<1x6144xi32, #tpu.memory_space<vmem>>
        %dma_start3A_270 = tpu.memref_squeeze %dma_start3A_269 : memref<1x6144xi32, #tpu.memory_space<vmem>> -> memref<6144xi32, #tpu.memory_space<vmem>>
        %dma_start3A_271 = tpu.memref_slice %arg2[%mul3A_266] : memref<9437184xi32, #tpu.memory_space<hbm>> -> memref<6144xi32, #tpu.memory_space<hbm>>
        %dma_start3A_272 = arith.constant 0 : i32
        %dma_start3A_273 = tpu.memref_slice %arg4[%dma_start3A_267, %dma_start3A_272] : memref<2x6144xi32, #tpu.memory_space<vmem>> -> memref<1x6144xi32, #tpu.memory_space<vmem>>
        %dma_start3A_274 = tpu.memref_squeeze %dma_start3A_273 : memref<1x6144xi32, #tpu.memory_space<vmem>> -> memref<6144xi32, #tpu.memory_space<vmem>>
        %dma_start3A_275 = tpu.memref_slice %arg2[%mul3A_266] : memref<9437184xi32, #tpu.memory_space<hbm>> -> memref<6144xi32, #tpu.memory_space<hbm>>
        tpu.enqueue_dma source(%dma_start3A_275 : memref<6144xi32, #tpu.memory_space<hbm>>) target(%dma_start3A_274 : memref<6144xi32, #tpu.memory_space<vmem>>) target_semaphore(%arg6 : memref<!tpu.dma_semaphore, #tpu.memory_space<semaphore_mem>>)
      } else {
      }
      %mul3A_176 = arith.constant 2 : i32
      %mul3A_177 = arith.muli %scan3A_143, %mul3A_176 : i32
      %add3A_178 = arith.constant 1 : i32
      %add3A_179 = arith.addi %mul3A_177, %add3A_178 : i32
      %mul3A_180 = arith.constant 24 : i32
      %mul3A_181 = arith.muli %select_n3A_30, %mul3A_180 : i32
      %add3A_182 = arith.constant 0 : i32
      %add3A_183 = arith.addi %mul3A_181, %add3A_182 : i32
      %mul3A_184 = arith.constant 48 : i32
      %mul3A_185 = arith.muli %select_n3A, %mul3A_184 : i32
      %add3A_186 = arith.addi %mul3A_185, %add3A_183 : i32
      %mul3A_187 = arith.constant 48 : i32
      %mul3A_188 = arith.muli %add3A_186, %mul3A_187 : i32
      %add3A_189 = arith.constant 0 : i32
      %add3A_190 = arith.addi %mul3A_188, %add3A_189 : i32
      %mul3A_191 = arith.constant 256 : i32
      %mul3A_192 = arith.muli %add3A_190, %mul3A_191 : i32
      %dma_wait3A_193 = arith.constant 1 : i32
      %dma_wait3A_194 = arith.constant 0 : i32
      %dma_wait3A_195 = tpu.memref_slice %arg4[%dma_wait3A_193, %dma_wait3A_194] : memref<2x6144xi32, #tpu.memory_space<vmem>> -> memref<1x6144xi32, #tpu.memory_space<vmem>>
      %dma_wait3A_196 = tpu.memref_squeeze %dma_wait3A_195 : memref<1x6144xi32, #tpu.memory_space<vmem>> -> memref<6144xi32, #tpu.memory_space<vmem>>
      %dma_wait3A_197 = tpu.memref_slice %arg2[%mul3A_192] : memref<9437184xi32, #tpu.memory_space<hbm>> -> memref<6144xi32, #tpu.memory_space<hbm>>
      %dma_wait3A_198 = arith.constant 0 : i32
      %dma_wait3A_199 = tpu.memref_slice %arg4[%dma_wait3A_193, %dma_wait3A_198] : memref<2x6144xi32, #tpu.memory_space<vmem>> -> memref<1x6144xi32, #tpu.memory_space<vmem>>
      %dma_wait3A_200 = tpu.memref_squeeze %dma_wait3A_199 : memref<1x6144xi32, #tpu.memory_space<vmem>> -> memref<6144xi32, #tpu.memory_space<vmem>>
      %dma_wait3A_201 = tpu.memref_slice %arg2[%mul3A_192] : memref<9437184xi32, #tpu.memory_space<hbm>> -> memref<6144xi32, #tpu.memory_space<hbm>>
      tpu.wait_dma2 semaphore(%arg7 : memref<!tpu.dma_semaphore, #tpu.memory_space<semaphore_mem>>) src(%dma_wait3A_201 : memref<6144xi32, #tpu.memory_space<hbm>>) dst(%dma_wait3A_200 : memref<6144xi32, #tpu.memory_space<vmem>>)
      %parallel_loop3A_202 = arith.constant 0 : i32
      %parallel_loop3A_203 = arith.constant 24 : i32
      %parallel_loop3A_204 = arith.constant 1 : i32
      scf.for %parallel_loop3A_212 = %parallel_loop3A_202 to %parallel_loop3A_203 step %parallel_loop3A_204  : i32 {
        %parallel_loop3A_213 = arith.constant 256 : i32
        %parallel_loop3A_214 = arith.muli %parallel_loop3A_212, %parallel_loop3A_213 : i32
        %parallel_loop3A_215 = arith.constant 0 : i32
        %parallel_loop3A_216 = arith.addi %parallel_loop3A_214, %parallel_loop3A_215 : i32
        %parallel_loop3A_217 = arith.constant 1 : i32
        %parallel_loop3A_218 = arith.index_cast %parallel_loop3A_217 : i32 to index
        %parallel_loop3A_219 = arith.index_cast %parallel_loop3A_216 : i32 to index
        %parallel_loop3A_220 = tpu.vector_load %arg4[%parallel_loop3A_218, %parallel_loop3A_219] {strides = array<i32>} : memref<2x6144xi32, #tpu.memory_space<vmem>>, vector<16xi32>,
        tpu.vector_store_idx %arg5[%parallel_loop3A_220, %add3A_36], %broadcast_in_dim3A_31 {add = true} : memref<512x208xf32, #tpu.memory_space<vmem>>[vector<16xi32>, vector<16xi32>], vector<16xf32>,
        %parallel_loop3A_221 = arith.constant 16 : i32
        %parallel_loop3A_222 = arith.addi %parallel_loop3A_214, %parallel_loop3A_221 : i32
        %parallel_loop3A_223 = arith.constant 1 : i32
        %parallel_loop3A_224 = arith.index_cast %parallel_loop3A_223 : i32 to index
        %parallel_loop3A_225 = arith.index_cast %parallel_loop3A_222 : i32 to index
        %parallel_loop3A_226 = tpu.vector_load %arg4[%parallel_loop3A_224, %parallel_loop3A_225] {strides = array<i32>} : memref<2x6144xi32, #tpu.memory_space<vmem>>, vector<16xi32>,
        tpu.vector_store_idx %arg5[%parallel_loop3A_226, %add3A_40], %broadcast_in_dim3A_31 {add = true} : memref<512x208xf32, #tpu.memory_space<vmem>>[vector<16xi32>, vector<16xi32>], vector<16xf32>,
        %parallel_loop3A_227 = arith.constant 32 : i32
        %parallel_loop3A_228 = arith.addi %parallel_loop3A_214, %parallel_loop3A_227 : i32
        %parallel_loop3A_229 = arith.constant 1 : i32
        %parallel_loop3A_230 = arith.index_cast %parallel_loop3A_229 : i32 to index
        %parallel_loop3A_231 = arith.index_cast %parallel_loop3A_228 : i32 to index
        %parallel_loop3A_232 = tpu.vector_load %arg4[%parallel_loop3A_230, %parallel_loop3A_231] {strides = array<i32>} : memref<2x6144xi32, #tpu.memory_space<vmem>>, vector<16xi32>,
        tpu.vector_store_idx %arg5[%parallel_loop3A_232, %add3A_44], %broadcast_in_dim3A_31 {add = true} : memref<512x208xf32, #tpu.memory_space<vmem>>[vector<16xi32>, vector<16xi32>], vector<16xf32>,
        %parallel_loop3A_233 = arith.constant 48 : i32
        %parallel_loop3A_234 = arith.addi %parallel_loop3A_214, %parallel_loop3A_233 : i32
        %parallel_loop3A_235 = arith.constant 1 : i32
        %parallel_loop3A_236 = arith.index_cast %parallel_loop3A_235 : i32 to index
        %parallel_loop3A_237 = arith.index_cast %parallel_loop3A_234 : i32 to index
        %parallel_loop3A_238 = tpu.vector_load %arg4[%parallel_loop3A_236, %parallel_loop3A_237] {strides = array<i32>} : memref<2x6144xi32, #tpu.memory_space<vmem>>, vector<16xi32>,
        tpu.vector_store_idx %arg5[%parallel_loop3A_238, %add3A_48], %broadcast_in_dim3A_31 {add = true} : memref<512x208xf32, #tpu.memory_space<vmem>>[vector<16xi32>, vector<16xi32>], vector<16xf32>,
        %parallel_loop3A_239 = arith.constant 64 : i32
        %parallel_loop3A_240 = arith.addi %parallel_loop3A_214, %parallel_loop3A_239 : i32
        %parallel_loop3A_241 = arith.constant 1 : i32
        %parallel_loop3A_242 = arith.index_cast %parallel_loop3A_241 : i32 to index
        %parallel_loop3A_243 = arith.index_cast %parallel_loop3A_240 : i32 to index
        %parallel_loop3A_244 = tpu.vector_load %arg4[%parallel_loop3A_242, %parallel_loop3A_243] {strides = array<i32>} : memref<2x6144xi32, #tpu.memory_space<vmem>>, vector<16xi32>,
        tpu.vector_store_idx %arg5[%parallel_loop3A_244, %add3A_52], %broadcast_in_dim3A_31 {add = true} : memref<512x208xf32, #tpu.memory_space<vmem>>[vector<16xi32>, vector<16xi32>], vector<16xf32>,
        %parallel_loop3A_245 = arith.constant 80 : i32
        %parallel_loop3A_246 = arith.addi %parallel_loop3A_214, %parallel_loop3A_245 : i32
        %parallel_loop3A_247 = arith.constant 1 : i32
        %parallel_loop3A_248 = arith.index_cast %parallel_loop3A_247 : i32 to index
        %parallel_loop3A_249 = arith.index_cast %parallel_loop3A_246 : i32 to index
        %parallel_loop3A_250 = tpu.vector_load %arg4[%parallel_loop3A_248, %parallel_loop3A_249] {strides = array<i32>} : memref<2x6144xi32, #tpu.memory_space<vmem>>, vector<16xi32>,
        tpu.vector_store_idx %arg5[%parallel_loop3A_250, %add3A_56], %broadcast_in_dim3A_31 {add = true} : memref<512x208xf32, #tpu.memory_space<vmem>>[vector<16xi32>, vector<16xi32>], vector<16xf32>,
        %parallel_loop3A_251 = arith.constant 96 : i32
        %parallel_loop3A_252 = arith.addi %parallel_loop3A_214, %parallel_loop3A_251 : i32
        %parallel_loop3A_253 = arith.constant 1 : i32
        %parallel_loop3A_254 = arith.index_cast %parallel_loop3A_253 : i32 to index
        %parallel_loop3A_255 = arith.index_cast %parallel_loop3A_252 : i32 to index
        %parallel_loop3A_256 = tpu.vector_load %arg4[%parallel_loop3A_254, %parallel_loop3A_255] {strides = array<i32>} : memref<2x6144xi32, #tpu.memory_space<vmem>>, vector<16xi32>,
        tpu.vector_store_idx %arg5[%parallel_loop3A_256, %add3A_60], %broadcast_in_dim3A_31 {add = true} : memref<512x208xf32, #tpu.memory_space<vmem>>[vector<16xi32>, vector<16xi32>], vector<16xf32>,
        %parallel_loop3A_257 = arith.constant 112 : i32
        %parallel_loop3A_258 = arith.addi %parallel_loop3A_214, %parallel_loop3A_257 : i32
        %parallel_loop3A_259 = arith.constant 1 : i32
        %parallel_loop3A_260 = arith.index_cast %parallel_loop3A_259 : i32 to index
        %parallel_loop3A_261 = arith.index_cast %parallel_loop3A_258 : i32 to index
        %parallel_loop3A_262 = tpu.vector_load %arg4[%parallel_loop3A_260, %parallel_loop3A_261] {strides = array<i32>} : memref<2x6144xi32, #tpu.memory_space<vmem>>, vector<16xi32>,
        tpu.vector_store_idx %arg5[%parallel_loop3A_262, %add3A_64], %broadcast_in_dim3A_31 {add = true} : memref<512x208xf32, #tpu.memory_space<vmem>>[vector<16xi32>, vector<16xi32>], vector<16xf32>,
        %parallel_loop3A_263 = arith.constant 128 : i32
        %parallel_loop3A_264 = arith.addi %parallel_loop3A_214, %parallel_loop3A_263 : i32
        %parallel_loop3A_265 = arith.constant 1 : i32
        %parallel_loop3A_266 = arith.index_cast %parallel_loop3A_265 : i32 to index
        %parallel_loop3A_267 = arith.index_cast %parallel_loop3A_264 : i32 to index
        %parallel_loop3A_268 = tpu.vector_load %arg4[%parallel_loop3A_266, %parallel_loop3A_267] {strides = array<i32>} : memref<2x6144xi32, #tpu.memory_space<vmem>>, vector<16xi32>,
        tpu.vector_store_idx %arg5[%parallel_loop3A_268, %add3A_68], %broadcast_in_dim3A_31 {add = true} : memref<512x208xf32, #tpu.memory_space<vmem>>[vector<16xi32>, vector<16xi32>], vector<16xf32>,
        %parallel_loop3A_269 = arith.constant 144 : i32
        %parallel_loop3A_270 = arith.addi %parallel_loop3A_214, %parallel_loop3A_269 : i32
        %parallel_loop3A_271 = arith.constant 1 : i32
        %parallel_loop3A_272 = arith.index_cast %parallel_loop3A_271 : i32 to index
        %parallel_loop3A_273 = arith.index_cast %parallel_loop3A_270 : i32 to index
        %parallel_loop3A_274 = tpu.vector_load %arg4[%parallel_loop3A_272, %parallel_loop3A_273] {strides = array<i32>} : memref<2x6144xi32, #tpu.memory_space<vmem>>, vector<16xi32>,
        tpu.vector_store_idx %arg5[%parallel_loop3A_274, %add3A_72], %broadcast_in_dim3A_31 {add = true} : memref<512x208xf32, #tpu.memory_space<vmem>>[vector<16xi32>, vector<16xi32>], vector<16xf32>,
        %parallel_loop3A_275 = arith.constant 160 : i32
        %parallel_loop3A_276 = arith.addi %parallel_loop3A_214, %parallel_loop3A_275 : i32
        %parallel_loop3A_277 = arith.constant 1 : i32
        %parallel_loop3A_278 = arith.index_cast %parallel_loop3A_277 : i32 to index
        %parallel_loop3A_279 = arith.index_cast %parallel_loop3A_276 : i32 to index
        %parallel_loop3A_280 = tpu.vector_load %arg4[%parallel_loop3A_278, %parallel_loop3A_279] {strides = array<i32>} : memref<2x6144xi32, #tpu.memory_space<vmem>>, vector<16xi32>,
        tpu.vector_store_idx %arg5[%parallel_loop3A_280, %add3A_76], %broadcast_in_dim3A_31 {add = true} : memref<512x208xf32, #tpu.memory_space<vmem>>[vector<16xi32>, vector<16xi32>], vector<16xf32>,
        %parallel_loop3A_281 = arith.constant 176 : i32
        %parallel_loop3A_282 = arith.addi %parallel_loop3A_214, %parallel_loop3A_281 : i32
        %parallel_loop3A_283 = arith.constant 1 : i32
        %parallel_loop3A_284 = arith.index_cast %parallel_loop3A_283 : i32 to index
        %parallel_loop3A_285 = arith.index_cast %parallel_loop3A_282 : i32 to index
        %parallel_loop3A_286 = tpu.vector_load %arg4[%parallel_loop3A_284, %parallel_loop3A_285] {strides = array<i32>} : memref<2x6144xi32, #tpu.memory_space<vmem>>, vector<16xi32>,
        tpu.vector_store_idx %arg5[%parallel_loop3A_286, %add3A_80], %broadcast_in_dim3A_31 {add = true} : memref<512x208xf32, #tpu.memory_space<vmem>>[vector<16xi32>, vector<16xi32>], vector<16xf32>,
        %parallel_loop3A_287 = arith.constant 192 : i32
        %parallel_loop3A_288 = arith.addi %parallel_loop3A_214, %parallel_loop3A_287 : i32
        %parallel_loop3A_289 = arith.constant 1 : i32
        %parallel_loop3A_290 = arith.index_cast %parallel_loop3A_289 : i32 to index
        %parallel_loop3A_291 = arith.index_cast %parallel_loop3A_288 : i32 to index
        %parallel_loop3A_292 = tpu.vector_load %arg4[%parallel_loop3A_290, %parallel_loop3A_291] {strides = array<i32>} : memref<2x6144xi32, #tpu.memory_space<vmem>>, vector<16xi32>,
        tpu.vector_store_idx %arg5[%parallel_loop3A_292, %add3A_84], %broadcast_in_dim3A_31 masked %lt3A_88 {add = true} : memref<512x208xf32, #tpu.memory_space<vmem>>[vector<16xi32>, vector<16xi32>], vector<16xf32>, vector<16xi1>
      } {sc.loop_unroll_factor = 2 : i64, sc.parallel_access}
      %add3A_205 = arith.constant 2 : i32
      %add3A_206 = arith.addi %add3A_179, %add3A_205 : i32
      %lt3A_207 = arith.constant 48 : i32
      %lt3A_208 = arith.cmpi slt, %add3A_206, %lt3A_207 : i32
      %convert_element_type3A_209 = arith.extui %lt3A_208 : i1 to i32
      %cond3A_210 = arith.constant 0 : i32
      %cond3A_211 = arith.cmpi ne, %convert_element_type3A_209, %cond3A_210 : i32
      scf.if %cond3A_211 {
        %add3A_212 = arith.constant 2 : i32
        %add3A_213 = arith.addi %add3A_179, %add3A_212 : i32
        %mul3A_214 = arith.constant 24 : i32
        %mul3A_215 = arith.muli %select_n3A_30, %mul3A_214 : i32
        %jit3A_216 = arith.constant 2 : i32
        %div3A_217 = arith.divsi %add3A_213, %jit3A_216 : i32
        %sign3A_218 = arith.constant 0 : i32
        %sign3A_219 = arith.cmpi sgt, %add3A_213, %sign3A_218 : i32
        %sign3A_220 = arith.extui %sign3A_219 : i1 to i32
        %sign3A_221 = arith.constant 0 : i32
        %sign3A_222 = arith.cmpi slt, %add3A_213, %sign3A_221 : i32
        %sign3A_223 = arith.extui %sign3A_222 : i1 to i32
        %sign3A_224 = arith.subi %sign3A_220, %sign3A_223 : i32
        %sign3A_225 = arith.constant 0 : i32
        %sign3A_226 = arith.cmpi sgt, %jit3A_216, %sign3A_225 : i32
        %sign3A_227 = arith.extui %sign3A_226 : i1 to i32
        %sign3A_228 = arith.constant 0 : i32
        %sign3A_229 = arith.cmpi slt, %jit3A_216, %sign3A_228 : i32
        %sign3A_230 = arith.extui %sign3A_229 : i1 to i32
        %sign3A_231 = arith.subi %sign3A_227, %sign3A_230 : i32
        %ne3A_232 = arith.cmpi ne, %sign3A_224, %sign3A_231 : i32
        %rem3A_233 = arith.remsi %add3A_213, %jit3A_216 : i32
        %ne3A_234 = arith.constant 0 : i32
        %ne3A_235 = arith.cmpi ne, %rem3A_233, %ne3A_234 : i32
        %and3A_236 = arith.andi %ne3A_232, %ne3A_235 : i1
        %sub3A_237 = arith.constant 1 : i32
        %sub3A_238 = arith.subi %div3A_217, %sub3A_237 : i32
        %select_n3A_239 = arith.select %and3A_236, %sub3A_238, %div3A_217 : i32
        %add3A_240 = arith.addi %mul3A_215, %select_n3A_239 : i32
        %mul3A_241 = arith.constant 48 : i32
        %mul3A_242 = arith.muli %select_n3A, %mul3A_241 : i32
        %add3A_243 = arith.addi %mul3A_242, %add3A_240 : i32
        %mul3A_244 = arith.constant 48 : i32
        %mul3A_245 = arith.muli %add3A_243, %mul3A_244 : i32
        %jit3A_246 = arith.constant 2 : i32
        %eq3A_247 = arith.constant 0 : i32
        %eq3A_248 = arith.cmpi eq, %jit3A_246, %eq3A_247 : i32
        %jit3A_249 = arith.constant 1 : i32
        %select_n3A_250 = arith.select %eq3A_248, %jit3A_249, %jit3A_246 : i32
        %rem3A_251 = arith.remsi %add3A_213, %select_n3A_250 : i32
        %ne3A_252 = arith.constant 0 : i32
        %ne3A_253 = arith.cmpi ne, %rem3A_251, %ne3A_252 : i32
        %lt3A_254 = arith.constant 0 : i32
        %lt3A_255 = arith.cmpi slt, %rem3A_251, %lt3A_254 : i32
        %lt3A_256 = arith.constant 0 : i32
        %lt3A_257 = arith.cmpi slt, %select_n3A_250, %lt3A_256 : i32
        %ne3A_258 = arith.xori %lt3A_255, %lt3A_257 : i1
        %and3A_259 = arith.andi %ne3A_258, %ne3A_253 : i1
        %add3A_260 = arith.addi %rem3A_251, %select_n3A_250 : i32
        %select_n3A_261 = arith.select %and3A_259, %add3A_260, %rem3A_251 : i32
        %mul3A_262 = arith.constant 24 : i32
        %mul3A_263 = arith.muli %select_n3A_261, %mul3A_262 : i32
        %add3A_264 = arith.addi %mul3A_245, %mul3A_263 : i32
        %mul3A_265 = arith.constant 256 : i32
        %mul3A_266 = arith.muli %add3A_264, %mul3A_265 : i32
        %dma_start3A_267 = arith.constant 1 : i32
        %dma_start3A_268 = arith.constant 0 : i32
        %dma_start3A_269 = tpu.memref_slice %arg4[%dma_start3A_267, %dma_start3A_268] : memref<2x6144xi32, #tpu.memory_space<vmem>> -> memref<1x6144xi32, #tpu.memory_space<vmem>>
        %dma_start3A_270 = tpu.memref_squeeze %dma_start3A_269 : memref<1x6144xi32, #tpu.memory_space<vmem>> -> memref<6144xi32, #tpu.memory_space<vmem>>
        %dma_start3A_271 = tpu.memref_slice %arg2[%mul3A_266] : memref<9437184xi32, #tpu.memory_space<hbm>> -> memref<6144xi32, #tpu.memory_space<hbm>>
        %dma_start3A_272 = arith.constant 0 : i32
        %dma_start3A_273 = tpu.memref_slice %arg4[%dma_start3A_267, %dma_start3A_272] : memref<2x6144xi32, #tpu.memory_space<vmem>> -> memref<1x6144xi32, #tpu.memory_space<vmem>>
        %dma_start3A_274 = tpu.memref_squeeze %dma_start3A_273 : memref<1x6144xi32, #tpu.memory_space<vmem>> -> memref<6144xi32, #tpu.memory_space<vmem>>
        %dma_start3A_275 = tpu.memref_slice %arg2[%mul3A_266] : memref<9437184xi32, #tpu.memory_space<hbm>> -> memref<6144xi32, #tpu.memory_space<hbm>>
        tpu.enqueue_dma source(%dma_start3A_275 : memref<6144xi32, #tpu.memory_space<hbm>>) target(%dma_start3A_274 : memref<6144xi32, #tpu.memory_space<vmem>>) target_semaphore(%arg7 : memref<!tpu.dma_semaphore, #tpu.memory_space<semaphore_mem>>)
      } else {
      }
    }
    %scan3A_142 = arith.constant 24 : i32
    "tpu.region"() ({
      %run_scoped3A = tpu.sem_alloc : memref<!tpu.dma_semaphore, #tpu.memory_space<semaphore_mem>>
      %dma_start3A_143 = arith.constant 0 : i32
      %dma_start3A_144 = arith.constant 0 : i32
      %dma_start3A_145 = tpu.memref_slice %arg3[%add3A, %dma_start3A_143, %dma_start3A_144] : memref<32x512x256xf32, #tpu.memory_space<hbm>> -> memref<1x512x208xf32, #tpu.memory_space<hbm>>
      %dma_start3A_146 = tpu.memref_squeeze %dma_start3A_145 : memref<1x512x208xf32, #tpu.memory_space<hbm>> -> memref<512x208xf32, #tpu.memory_space<hbm>>
      %dma_start3A_147 = arith.constant 0 : i32
      %dma_start3A_148 = arith.constant 0 : i32
      %dma_start3A_149 = tpu.memref_slice %arg3[%add3A, %dma_start3A_147, %dma_start3A_148] : memref<32x512x256xf32, #tpu.memory_space<hbm>> -> memref<1x512x208xf32, #tpu.memory_space<hbm>>
      %dma_start3A_150 = tpu.memref_squeeze %dma_start3A_149 : memref<1x512x208xf32, #tpu.memory_space<hbm>> -> memref<512x208xf32, #tpu.memory_space<hbm>>
      tpu.enqueue_dma source(%arg5 : memref<512x208xf32, #tpu.memory_space<vmem>>) target(%dma_start3A_150 : memref<512x208xf32, #tpu.memory_space<hbm>>) target_semaphore(%run_scoped3A : memref<!tpu.dma_semaphore, #tpu.memory_space<semaphore_mem>>)
      %dma_wait3A = arith.constant 0 : i32
      %dma_wait3A_151 = arith.constant 0 : i32
      %dma_wait3A_152 = tpu.memref_slice %arg3[%add3A, %dma_wait3A, %dma_wait3A_151] : memref<32x512x256xf32, #tpu.memory_space<hbm>> -> memref<1x512x208xf32, #tpu.memory_space<hbm>>
      %dma_wait3A_153 = tpu.memref_squeeze %dma_wait3A_152 : memref<1x512x208xf32, #tpu.memory_space<hbm>> -> memref<512x208xf32, #tpu.memory_space<hbm>>
      %dma_wait3A_154 = arith.constant 0 : i32
      %dma_wait3A_155 = arith.constant 0 : i32
      %dma_wait3A_156 = tpu.memref_slice %arg3[%add3A, %dma_wait3A_154, %dma_wait3A_155] : memref<32x512x256xf32, #tpu.memory_space<hbm>> -> memref<1x512x208xf32, #tpu.memory_space<hbm>>
      %dma_wait3A_157 = tpu.memref_squeeze %dma_wait3A_156 : memref<1x512x208xf32, #tpu.memory_space<hbm>> -> memref<512x208xf32, #tpu.memory_space<hbm>>
      tpu.wait_dma2 semaphore(%run_scoped3A : memref<!tpu.dma_semaphore, #tpu.memory_space<semaphore_mem>>) src(%arg5 : memref<512x208xf32, #tpu.memory_space<vmem>>) dst(%dma_wait3A_157 : memref<512x208xf32, #tpu.memory_space<hbm>>)
      tpu.yield
    }) : () -> ()
    return
  }
}

module attributes {stable_mosaic.version = 14 : i64} {
  func.func @_bins_body(%arg0: i32, %arg1: i32, %arg2: memref<1x12x3x48x200xi32, #tpu.memory_space<vmem>>, %arg3: memref<1x12x48x256xi32, #tpu.memory_space<vmem>>) attributes {dimension_semantics = [#tpu.dimension_semantics<arbitrary>, #tpu.dimension_semantics<arbitrary>], iteration_bounds = array<i64: 16, 4>, scalar_prefetch = 0 : i64, scratch_operands = 0 : i64, tpu.core_type = #tpu.core_type<tc>, window_params = [{transform_indices = @transform_0, window_bounds = array<i64: 1, 12, 3, 48, 200>}, {transform_indices = @transform_1, window_bounds = array<i64: 1, 12, 48, 256>}]} {
    %get3A = arith.constant 0 : index
    %get3A_0 = arith.constant 0 : index
    %get3A_1 = arith.constant 0 : index
    %get3A_2 = arith.constant 0 : index
    %get3A_3 = arith.constant 0 : index
    %get3A_4 = vector.load %arg2[%get3A, %get3A_0, %get3A_1, %get3A_2, %get3A_3] : memref<1x12x3x48x200xi32, #tpu.memory_space<vmem>>, vector<1x12x3x48x200xi32>
    %get3A_5 = vector.shape_cast %get3A_4 : vector<1x12x3x48x200xi32> to vector<12x3x48x200xi32>
    %slice3A = vector.extract_strided_slice %get3A_5 {offsets = [0, 0, 0, 0], sizes = [12, 1, 48, 200], strides = [1, 1, 1, 1]} : vector<12x3x48x200xi32> to vector<12x1x48x200xi32>
    %squeeze3A = vector.shape_cast %slice3A : vector<12x1x48x200xi32> to vector<12x48x200xi32>
    %slice3A_6 = vector.extract_strided_slice %get3A_5 {offsets = [0, 1, 0, 0], sizes = [12, 1, 48, 200], strides = [1, 1, 1, 1]} : vector<12x3x48x200xi32> to vector<12x1x48x200xi32>
    %squeeze3A_7 = vector.shape_cast %slice3A_6 : vector<12x1x48x200xi32> to vector<12x48x200xi32>
    %slice3A_8 = vector.extract_strided_slice %get3A_5 {offsets = [0, 2, 0, 0], sizes = [12, 1, 48, 200], strides = [1, 1, 1, 1]} : vector<12x3x48x200xi32> to vector<12x1x48x200xi32>
    %squeeze3A_9 = vector.shape_cast %slice3A_8 : vector<12x1x48x200xi32> to vector<12x48x200xi32>
    %shift_right_arithmetic3A = arith.constant 5 : i32
    %shift_right_arithmetic3A_10 = vector.broadcast %shift_right_arithmetic3A : i32 to vector<12x48x200xi32>
    %shift_right_arithmetic3A_11 = arith.shrsi %squeeze3A, %shift_right_arithmetic3A_10 : vector<12x48x200xi32>
    %shift_left3A = arith.constant 6 : i32
    %shift_left3A_12 = vector.broadcast %shift_left3A : i32 to vector<12x48x200xi32>
    %shift_left3A_13 = arith.shli %shift_right_arithmetic3A_11, %shift_left3A_12 : vector<12x48x200xi32>
    %shift_right_arithmetic3A_14 = arith.constant 5 : i32
    %shift_right_arithmetic3A_15 = vector.broadcast %shift_right_arithmetic3A_14 : i32 to vector<12x48x200xi32>
    %shift_right_arithmetic3A_16 = arith.shrsi %squeeze3A_7, %shift_right_arithmetic3A_15 : vector<12x48x200xi32>
    %shift_left3A_17 = arith.constant 3 : i32
    %shift_left3A_18 = vector.broadcast %shift_left3A_17 : i32 to vector<12x48x200xi32>
    %shift_left3A_19 = arith.shli %shift_right_arithmetic3A_16, %shift_left3A_18 : vector<12x48x200xi32>
    %add3A = arith.addi %shift_left3A_13, %shift_left3A_19 : vector<12x48x200xi32>
    %shift_right_arithmetic3A_20 = arith.constant 5 : i32
    %shift_right_arithmetic3A_21 = vector.broadcast %shift_right_arithmetic3A_20 : i32 to vector<12x48x200xi32>
    %shift_right_arithmetic3A_22 = arith.shrsi %squeeze3A_9, %shift_right_arithmetic3A_21 : vector<12x48x200xi32>
    %add3A_23 = arith.addi %add3A, %shift_right_arithmetic3A_22 : vector<12x48x200xi32>
    %swap3A = arith.constant 0 : index
    %swap3A_24 = arith.constant 0 : index
    %swap3A_25 = arith.constant 0 : index
    %swap3A_26 = arith.constant 0 : index
    %swap3A_27 = vector.load %arg3[%swap3A, %swap3A_24, %swap3A_25, %swap3A_26] : memref<1x12x48x256xi32, #tpu.memory_space<vmem>>, vector<1x12x48x200xi32>
    %swap3A_28 = vector.shape_cast %swap3A_27 : vector<1x12x48x200xi32> to vector<12x48x200xi32>
    %swap3A_29 = vector.shape_cast %add3A_23 : vector<12x48x200xi32> to vector<1x12x48x200xi32>
    tpu.vector_store %arg3[%swap3A, %swap3A_24, %swap3A_25, %swap3A_26], %swap3A_29 {strides = array<i32>} : memref<1x12x48x256xi32, #tpu.memory_space<vmem>>, vector<1x12x48x200xi32>,
    return
  }
  func.func @transform_0(%arg0: i32, %arg1: i32) -> (i32, i32, i32, i32, i32) {
    %c0_i32 = arith.constant 0 : i32
    %c0_i32_0 = arith.constant 0 : i32
    %c0_i32_1 = arith.constant 0 : i32
    %c0_i32_2 = arith.constant 0 : i32
    return %arg0, %arg1, %c0_i32, %c0_i32_0, %c0_i32_1 : i32, i32, i32, i32, i32
  }
  func.func @transform_1(%arg0: i32, %arg1: i32) -> (i32, i32, i32, i32) {
    %c0_i32 = arith.constant 0 : i32
    %c0_i32_0 = arith.constant 0 : i32
    %c0_i32_1 = arith.constant 0 : i32
    return %arg0, %arg1, %c0_i32, %c0_i32_0 : i32, i32, i32, i32
  }
}

module attributes {stable_mosaic.version = 14 : i64} {
  func.func @_dense_body(%arg0: i32, %arg1: memref<1x2x512x256xf32, #tpu.memory_space<vmem>>, %arg2: memref<128x101xf32, #tpu.memory_space<vmem>>, %arg3: memref<1x128xf32, #tpu.memory_space<vmem>>, %arg4: memref<1x200x128xf32, #tpu.memory_space<vmem>>) attributes {dimension_semantics = [#tpu.dimension_semantics<arbitrary>], iteration_bounds = array<i64: 16>, scalar_prefetch = 0 : i64, scratch_operands = 0 : i64, tpu.core_type = #tpu.core_type<tc>, window_params = [{transform_indices = @transform_0, window_bounds = array<i64: 1, 2, 512, 256>}, {pipeline_mode = #tpu.pipeline_mode<synchronous>, transform_indices = @transform_1, window_bounds = array<i64: 128, 101>}, {pipeline_mode = #tpu.pipeline_mode<synchronous>, transform_indices = @transform_2, window_bounds = array<i64: 1, 128>}, {transform_indices = @transform_3, window_bounds = array<i64: 1, 200, 128>}]} {
    %get3A = arith.constant 0 : index
    %get3A_0 = arith.constant 0 : index
    %get3A_1 = arith.constant 0 : index
    %get3A_2 = arith.constant 0 : index
    %get3A_3 = vector.load %arg1[%get3A, %get3A_0, %get3A_1, %get3A_2] : memref<1x2x512x256xf32, #tpu.memory_space<vmem>>, vector<1x1x512x200xf32>
    %get3A_4 = vector.shape_cast %get3A_3 : vector<1x1x512x200xf32> to vector<512x200xf32>
    %get3A_5 = arith.constant 0 : index
    %get3A_6 = arith.constant 1 : index
    %get3A_7 = arith.constant 0 : index
    %get3A_8 = arith.constant 0 : index
    %get3A_9 = vector.load %arg1[%get3A_5, %get3A_6, %get3A_7, %get3A_8] : memref<1x2x512x256xf32, #tpu.memory_space<vmem>>, vector<1x1x512x200xf32>
    %get3A_10 = vector.shape_cast %get3A_9 : vector<1x1x512x200xf32> to vector<512x200xf32>
    %add3A = arith.addf %get3A_4, %get3A_10 : vector<512x200xf32>
    %mul3A = arith.mulf %add3A, %add3A : vector<512x200xf32>
    %reduce_sum3A = arith.constant dense<0.000000e+00> : vector<200xf32>
    %reduce_sum3A_11 = vector.multi_reduction <add>, %mul3A, %reduce_sum3A [0] : vector<512x200xf32> to vector<200xf32>
    %broadcast_in_dim3A = vector.shape_cast %reduce_sum3A_11 : vector<200xf32> to vector<1x200xf32>
    %sqrt3A = math.sqrt %broadcast_in_dim3A : vector<1x200xf32>
    %max3A = arith.constant 9.99999996E-13 : f32
    %max3A_12 = vector.broadcast %max3A : f32 to vector<1x200xf32>
    %max3A_13 = arith.maximumf %sqrt3A, %max3A_12 : vector<1x200xf32>
    %div3A = vector.broadcast %max3A_13 : vector<1x200xf32> to vector<512x200xf32>
    %div3A_14 = arith.divf %add3A, %div3A : vector<512x200xf32>
    %iota3A = tpu.iota {dimensions = array<i32: 0>} : vector<200x200xi32>
    %iota3A_15 = tpu.iota {dimensions = array<i32: 1>} : vector<200x200xi32>
    %add3A_16 = arith.addi %iota3A, %iota3A_15 : vector<200x200xi32>
    %eq3A = arith.constant 199 : i32
    %eq3A_17 = vector.broadcast %eq3A : i32 to vector<200x200xi32>
    %eq3A_18 = arith.cmpi eq, %add3A_16, %eq3A_17 : vector<200x200xi32>
    %jit3A = arith.constant 1.000000e+00 : f32
    %jit3A_19 = arith.constant 0.000000e+00 : f32
    %broadcast_in_dim3A_20 = vector.broadcast %jit3A : f32 to vector<200x200xf32>
    %broadcast_in_dim3A_21 = vector.broadcast %jit3A_19 : f32 to vector<200x200xf32>
    %select_n3A = arith.select %eq3A_18, %broadcast_in_dim3A_20, %broadcast_in_dim3A_21 : vector<200x200xi1>, vector<200x200xf32>
    %dot_general3A = arith.constant dense<0.000000e+00> : vector<512x200xf32>
    %dot_general3A_22 = tpu.matmul %div3A_14, %select_n3A, %dot_general3A {dimension_numbers = #tpu.dot_dimension_numbers<[1], [0], [0], [1], [0, 0, 1, 1], [], []>, transpose_lhs_hint = false} : vector<512x200xf32>, vector<200x200xf32>, vector<512x200xf32> -> vector<512x200xf32>
    %dot_general3A_23 = arith.constant dense<0.000000e+00> : vector<200x200xf32>
    %dot_general3A_24 = tpu.matmul %div3A_14, %dot_general3A_22, %dot_general3A_23 {dimension_numbers = #tpu.dot_dimension_numbers<[0], [0], [1], [1], [0, 1, 1, 1], [], []>, transpose_lhs_hint = false} : vector<512x200xf32>, vector<512x200xf32>, vector<200x200xf32> -> vector<200x200xf32>
    %broadcast_in_dim3A_25 = arith.constant 0.000000e+00 : f32
    %broadcast_in_dim3A_26 = vector.broadcast %broadcast_in_dim3A_25 : f32 to vector<200x56xf32>
    %concatenate3A = tpu.concatenate %broadcast_in_dim3A_26, %dot_general3A_24 in 1 : vector<200x56xf32>, vector<200x200xf32> -> vector<200x256xf32>
    %roll3A = arith.constant 56 : i32
    %roll3A_27 = tpu.dynamic_rotate %concatenate3A by %roll3A dim 1 {stride = 1 : si32, stride_dimension = 0 : si32} : vector<200x256xf32>, i32 -> vector<200x256xf32>
    %slice3A = vector.extract_strided_slice %roll3A_27 {offsets = [0, 5], sizes = [200, 101], strides = [1, 1]} : vector<200x256xf32> to vector<200x101xf32>
    %get3A_28 = arith.constant 0 : index
    %get3A_29 = arith.constant 0 : index
    %get3A_30 = vector.load %arg2[%get3A_28, %get3A_29] : memref<128x101xf32, #tpu.memory_space<vmem>>, vector<128x101xf32>
    %dot_general3A_31 = arith.constant dense<0.000000e+00> : vector<200x128xf32>
    %dot_general3A_32 = tpu.matmul %slice3A, %get3A_30, %dot_general3A_31 {dimension_numbers = #tpu.dot_dimension_numbers<[1], [1], [0], [0], [0, 0, 1, 0], [], []>, transpose_lhs_hint = false} : vector<200x101xf32>, vector<128x101xf32>, vector<200x128xf32> -> vector<200x128xf32>
    %get3A_33 = arith.constant 0 : index
    %get3A_34 = arith.constant 0 : index
    %get3A_35 = vector.load %arg3[%get3A_33, %get3A_34] : memref<1x128xf32, #tpu.memory_space<vmem>>, vector<1x128xf32>
    %add3A_36 = vector.broadcast %get3A_35 : vector<1x128xf32> to vector<200x128xf32>
    %add3A_37 = arith.addf %dot_general3A_32, %add3A_36 : vector<200x128xf32>
    %max3A_38 = arith.constant 0.000000e+00 : f32
    %max3A_39 = vector.broadcast %max3A_38 : f32 to vector<200x128xf32>
    %max3A_40 = arith.maximumf %add3A_37, %max3A_39 : vector<200x128xf32>
    %swap3A = arith.constant 0 : index
    %swap3A_41 = arith.constant 0 : index
    %swap3A_42 = arith.constant 0 : index
    %swap3A_43 = vector.load %arg4[%swap3A, %swap3A_41, %swap3A_42] : memref<1x200x128xf32, #tpu.memory_space<vmem>>, vector<1x200x128xf32>
    %swap3A_44 = vector.shape_cast %swap3A_43 : vector<1x200x128xf32> to vector<200x128xf32>
    %swap3A_45 = vector.shape_cast %max3A_40 : vector<200x128xf32> to vector<1x200x128xf32>
    tpu.vector_store %arg4[%swap3A, %swap3A_41, %swap3A_42], %swap3A_45 {strides = array<i32>} : memref<1x200x128xf32, #tpu.memory_space<vmem>>, vector<1x200x128xf32>,
    return
  }
  func.func @transform_0(%arg0: i32) -> (i32, i32, i32, i32) {
    %c0_i32 = arith.constant 0 : i32
    %c0_i32_0 = arith.constant 0 : i32
    %c0_i32_1 = arith.constant 0 : i32
    %c0_i32_2 = arith.constant 0 : i32
    return %arg0, %c0_i32, %c0_i32_0, %c0_i32_1 : i32, i32, i32, i32
  }
  func.func @transform_1(%arg0: i32) -> (i32, i32) {
    %c0_i32 = arith.constant 0 : i32
    %c0_i32_0 = arith.constant 0 : i32
    %c0_i32_1 = arith.constant 0 : i32
    return %c0_i32, %c0_i32_0 : i32, i32
  }
  func.func @transform_2(%arg0: i32) -> (i32, i32) {
    %c0_i32 = arith.constant 0 : i32
    %c0_i32_0 = arith.constant 0 : i32
    %c0_i32_1 = arith.constant 0 : i32
    return %c0_i32, %c0_i32_0 : i32, i32
  }
  func.func @transform_3(%arg0: i32) -> (i32, i32, i32) {
    %c0_i32 = arith.constant 0 : i32
    %c0_i32_0 = arith.constant 0 : i32
    %c0_i32_1 = arith.constant 0 : i32
    return %arg0, %c0_i32, %c0_i32_0 : i32, i32, i32
  }
}

</mosaic_0001>

<sc_bundles>
// kernel: kernel.5.cloned.1.call-start
scs
__scs_entry_jumppad:
0x0: {  	(pc) =	sbr.rel $0x88, $3  }
0x1: {  	(tag) =	ssettag $0x0;
	lr =	simm.s32 $0x1  }
0x2: {  	[smem:$0x3F9E] =	sst lr;
	_ =	strace $0xD0000000  }
0x3: {  	_ = 	snop  }
0x4: {  	_ = 	snop  }
0x5: {  	_ = 	snop  }
0x6: {  	_ = 	snop  }
0x7: {  	_ = 	snop  }
__scs_overlays_trampoline_lowered:
0x8: {  	[smem:$0x3FAD] =	sst s0  }
0x9: {  	[smem:$0x3FAE] =	sst s1  }
0xa: {  	[smem:$0x3FAF] =	sst s2  }
0xb: {  	[smem:$0x3FB0] =	sst s3  }
0xc: {  	[smem:$0x3FB1] =	sst s4  }
0xd: {  	[smem:$0x3FB2] =	sst s5  }
0xe: {  	[smem:$0x3FB3] =	sst s6  }
0xf: {  	[smem:$0x3FB4] =	sst s7  }
0x10: {  	[smem:$0x3FB5] =	sst s8  }
0x11: {  	[smem:$0x3FB6] =	sst s9;
	s0 =	simm.s32 @!p0 $0x0  }
0x12: {  	s1 =	sld [smem:$0x3F9C];
	s0 =	simm.s32 @p0 $0x1  }
0x13: {  	[smem:$0x3FB7] =	sst s0;
	s0 =	simm.s32 @!p1 $0x0  }
0x14: {  	s2 =	sld [smem:$0x3F9B];
	s0 =	simm.s32 @p1 $0x1  }
0x15: {  	[smem:$0x3FB8] =	sst s0;
	s0 =	simm.s32 @!p2 $0x0  }
0x16: {  	s3 =	sld [smem:$0x3FDB];
	s0 =	simm.s32 @p2 $0x1  }
0x17: {  	s4 =	simm.s32 $0x1BF5;
	[smem:$0x3FBA] =	sst s0  }
0x18: {  	s0 =	sld [smem:$0x3F9D];
	_ =	swait.ge [sflag:s4], $0x0  }
0x19: {  	s7 =	sld [smem:$0x3F9E]  }
0x1a: {  	s8 =	sadd.s32 $0xFFFFE003, lr  }
0x1b: {  	s9 =	sadd.s32 $0xFFFFFEF7, lr;
	s5 =	simm.s32 $0xFFFFFFFF;
	p2 =	slt.u32 s8, $0xFFFFF086  }
0x1c: {  	p1 =	slt.u32 s9, $0xF7A;
	s5 =	simm.s32 @!p2 $0x0  }
0x1d: {  	s5 =	simm.s32 @p1 $0x1;
	p0 =	seq.s32 s7, s2  }
0x1e: {  	s7 =	smul.u32 @!p0 $0xF7A, s2;
	p2 =	seq.s32 @!p0 s5, $0x0  }
0x1f: {  	s9 =	smul.u32 $0xF7A, s1;
	s8 =	simm.s32 @!p0 $0x1BF5;
	p2 =	por !p2, p0  }
0x20: {  	[sflag:s8] =	ssyncset.s32 @!p0 $0xFFFFF086;
	s6 =	sadd.s32 @!p0 s3, s7;
	s7 =	simm.s32 @!p0 $0x108  }
0x21: {  	s3 =	sadd.s32 s3, s9;
	s6 =	sadd.s32 @!p0 $0x88, s6;
	s7 =	simm.s32 @p2 $0x1082  }
0x22: {  	[simem:s7], [sflag:s8] =	dma.local @!p0 [hbm:s6], $0xF7A  }
0x23: {  	s9 =	sor.u32 $0xD0000000, s2;
	s6 =	simm.s32 $0x108;
	_ =	swait.ge @!p0 [sflag:s8], $0x0  }
0x24: {  	s3 =	sadd.s32 $0x88, s3;
	s6 =	simm.s32 @!p1 $0x1082;
	[sflag:s4] =	ssyncset.s32 $0xFFFFF086  }
0x25: {  	[simem:s6], [sflag:s4] =	dma.local [hbm:s3], $0xF7A  }
0x26: {  	[smem:$0x3F9E] =	sst s1;
	(tag) =	ssettag s2;
	_ =	strace s9  }
0x27: {  	s1 =	sld [smem:$0x3FAE]  }
0x28: {  	s2 =	sld [smem:$0x3FAF]  }
0x29: {  	s4 =	sld [smem:$0x3FB1]  }
0x2a: {  	p0 =	seq.s32 s5, $0x0;
	s5 =	sld [smem:$0x3FB2]  }
0x2b: {  	s6 =	sld [smem:$0x3FB3]  }
0x2c: {  	s7 =	sld [smem:$0x3FB4]  }
0x2d: {  	s3 =	simm.s32 $0x108;
	s8 =	sld [smem:$0x3FB5]  }
0x2e: {  	s3 =	simm.s32 @!p0 $0x1082;
	s9 =	sld [smem:$0x3FB6]  }
0x2f: {  	lr =	sadd.s32 s0, s3;
	s0 =	sld [smem:$0x3FAD]  }
0x30: {  	s3 =	sld [smem:$0x3FB0]  }
0x31: {  	[smem:$0x3FB9] =	sst s10  }
0x32: {  	s10 =	sld [smem:$0x3FB7];
	_ =	sdelay $0x3  }
0x33: {  	p0 =	seq.s32 s10, $0x1;
	s10 =	sld [smem:$0x3FB9];
	_ =	sdelay $0x3  }
0x34: {  	[smem:$0x3FB9] =	sst s10  }
0x35: {  	s10 =	sld [smem:$0x3FB8];
	_ =	sdelay $0x3  }
0x36: {  	p1 =	seq.s32 s10, $0x1;
	s10 =	sld [smem:$0x3FB9];
	_ =	sdelay $0x3  }
0x37: {  	[smem:$0x3FB9] =	sst s10  }
0x38: {  	s10 =	sld [smem:$0x3FBA]  }
0x39: {  	_ = 	snop;
	(pc) =	sbr.ind lr, $3  }
0x3a: {  	_ = 	snop  }
0x3b: {  	_ = 	snop  }
0x3c: {  	p2 =	seq.s32 s10, $0x1;
	s10 =	sld [smem:$0x3FB9]  }
0x3d: {  	_ =	shalt  }
0x3e: {  	_ =	shalt  }
0x3f: {  	_ =	shalt  }
0x40: {  	_ =	shalt  }
0x41: {  	_ =	shalt  }
0x42: {  	_ =	shalt  }
0x43: {  	_ =	shalt  }
0x44: {  	_ =	shalt  }
0x45: {  	_ =	shalt  }
0x46: {  	_ =	shalt  }
0x47: {  	_ =	shalt  }
0x48: {  	_ =	shalt  }
0x49: {  	_ =	shalt  }
0x4a: {  	_ =	shalt  }
0x4b: {  	_ =	shalt  }
0x4c: {  	_ =	shalt  }
0x4d: {  	_ =	shalt  }
0x4e: {  	_ =	shalt  }
0x4f: {  	_ =	shalt  }
0x50: {  	_ =	shalt  }
0x51: {  	_ =	shalt  }
0x52: {  	_ =	shalt  }
0x53: {  	_ =	shalt  }
0x54: {  	_ =	shalt  }
0x55: {  	_ =	shalt  }
0x56: {  	_ =	shalt  }
0x57: {  	_ =	shalt  }
0x58: {  	_ =	shalt  }
0x59: {  	_ =	shalt  }
0x5a: {  	_ =	shalt  }
0x5b: {  	_ =	shalt  }
0x5c: {  	_ =	shalt  }
0x5d: {  	_ =	shalt  }
0x5e: {  	_ =	shalt  }
0x5f: {  	_ =	shalt  }
0x60: {  	_ =	shalt  }
0x61: {  	_ =	shalt  }
0x62: {  	_ =	shalt  }
0x63: {  	_ =	shalt  }
0x64: {  	_ =	shalt  }
0x65: {  	_ =	shalt  }
0x66: {  	_ =	shalt  }
0x67: {  	_ =	shalt  }
0x68: {  	_ =	shalt  }
0x69: {  	_ =	shalt  }
0x6a: {  	_ =	shalt  }
0x6b: {  	_ =	shalt  }
0x6c: {  	_ =	shalt  }
0x6d: {  	_ =	shalt  }
0x6e: {  	_ =	shalt  }
0x6f: {  	_ =	shalt  }
0x70: {  	_ =	shalt  }
0x71: {  	_ =	shalt  }
0x72: {  	_ =	shalt  }
0x73: {  	_ =	shalt  }
0x74: {  	_ =	shalt  }
0x75: {  	_ =	shalt  }
0x76: {  	_ =	shalt  }
0x77: {  	_ =	shalt  }
0x78: {  	_ =	shalt  }
0x79: {  	_ =	shalt  }
0x7a: {  	_ =	shalt  }
0x7b: {  	_ =	shalt  }
0x7c: {  	_ =	shalt  }
0x7d: {  	_ =	shalt  }
0x7e: {  	_ =	shalt  }
0x7f: {  	_ =	shalt  }
0x80: {  	_ =	shalt  }
0x81: {  	_ =	shalt  }
0x82: {  	_ =	shalt  }
0x83: {  	_ =	shalt  }
0x84: {  	_ =	shalt  }
0x85: {  	_ =	shalt  }
0x86: {  	_ =	shalt  }
0x87: {  	_ =	shalt  }
.Lfunc_end0:
.L_simem_size_0:
called_computation.1_lowered:
.L_overlay_start_0:
0x88: {  	s2 =	sld [smem:$0x3FD9]  }
0x89: {  	s3 =	sld [smem:$0x3FFE];
	_ =	sdelay $0x1  }
0x8a: {  	s1 =	srdreg.scid  }
0x8b: {  	s0 =	sand.u32 $0x1, s1  }
0x8c: {  	s16 =	sshll.u32 s0, $0xA;
	s2 =	sadd.s32 s3, s2  }
0x8d: {  	s2 =	sadd.s32 s2, s16  }
0x8e: {  	[smem:$0x3FC5] =	sst s2  }
0x8f: {  	_ = 	snop  }
0x90: {  	(tm) =	ssettm $0x1  }
0x91: {  	s17 =	sld [smem:$0x3FFB];
	_ =	sdelay $0x3  }
0x92: {  	_ =	strace s17  }
0x93: {  	s2 =	sld [smem:$0x3FFC];
	_ =	sdelay $0x3  }
0x94: {  	_ =	strace s2  }
0x95: {  	s2 =	sld [smem:$0x3FFD];
	_ =	sdelay $0x3  }
0x96: {  	_ =	strace s2  }
0x97: {  	_ =	strace $0x8FFFFFFF  }
0x98: {  	s18 =	sld [smem:$0x3FDB];
	_ =	sdelay $0x1  }
0x99: {  	s19 =	simm.s32 $_scs_section_size  }
0x9a: {  	s4 =	simm.s32 $_size__tile_overlayer_lowered;
	s5 =	simm.s32 $_tile_overlayer_lowered  }
0x9b: {  	s22 =	simm.s32 $0x1BFF;
	s21 =	sshll.u32 s5, $0x1;
	s2 =	sadd.s32 s19, s18  }
0x9c: {  	s6 =	simm.s32 $0x0;
	s20 =	sshll.u32 s4, $0x1;
	s4 =	sadd.s32 s21, s2  }
0x9d: {  	[timem:s6], [sflag:s22] =	dma.local [hbm:s4], s20  }
0x9e: {  	_ =	swait.ge [sflag:s22], s20  }
0x9f: {  	s3 =	ssub.s32 $0x0, s20;
	[sflag:s22] =	ssyncset.done $0x0  }
0xa0: {  	[sflag:s22] =	ssyncadd.s32 s3;
	_ =	sdelay $0x1  }
0xa1: {  	s23 =	simm.s32 $0x1B8B  }
0xa2: {  	_ =	swait.ge [sflag:s23], $0x1  }
0xa3: {  	[sflag:s23] =	ssyncset.done $0x0  }
0xa4: {  	s25 =	simm.s32 $0x1B8E;
	s24 =	sld [smem:$0x3FFE];
	[sflag:s23] =	ssyncadd.s32 $0xFFFFFFFF  }
0xa5: {  	s26 =	simm.s32 $execute0_lowered;
	[smem:$0x3FD2] =	sst s25  }
0xa6: {  	s4 =	sshll.u32 s26, $0x1;
	_ =	strace $0x80000049;
	[dreg:$0x1] =	wrdreg $0xFFFFFFFF  }
0xa7: {  	s28 =	simm.s32 $_size_execute0_lowered;
	s2 =	sadd.s32 s2, s4;
	[dreg:$0x0] =	wrdreg $0x0  }
0xa8: {  	s4 =	sshll.u32 s28, $0x1;
	[dreg:$0x2] =	wrdreg s2  }
0xa9: {  	[dreg:$0x3] =	wrdreg s4  }
0xaa: {  	[dreg:$0x4] =	wrdreg $0xC0  }
0xab: {  	_ =	task [dreg:s6], $0x5FFFF  }
0xac: {  	[dreg:$0x1] =	wrdreg $0xFFFFFFFF  }
0xad: {  	[dreg:$0x0] =	wrdreg $0x60  }
0xae: {  	[dreg:$0x2] =	wrdreg s24  }
0xaf: {  	[dreg:$0x3] =	wrdreg $0x9  }
0xb0: {  	_ =	task.clear_ibuf [dreg:s6], $0x4FFFF;
	_ =	strace $0x90000049  }
0xb1: {  	s29 =	simm.s32 $0x9;
	_ =	strace $0x8000004B  }
0xb2: {  	_ =	swait.ge [sflag:s29], $0x1  }
0xb3: {  	[sflag:s29] =	ssyncadd.s32 $0xFFFFFFFF  }
0xb4: {  	_ =	strace $0x9000004B  }
0xb5: {  	_ =	sfence  }
0xb6: {  	s30 =	sld [smem:$0x0];
	_ =	sdelay $0x2  }
0xb7: {  	s31 =	sshll.u32 s1, $0xD;
	s1 =	sshrl.u32 s1, $0x2  }
0xb8: {  	s3 =	sand.u32 $0x4000, s31;
	s1 =	sadd.s32 s1, s30  }
0xb9: {  	s0 =	sor.u32 s3, s0;
	s1 =	sshll.u32 s1, $0x11  }
0xba: {  	s0 =	sor.u32 s1, s0  }
0xbb: {  	s0 =	sadd.s32 $0x8F2B, s0  }
0xbc: {  	[sflag:s0] =	ssyncadd.remote.s32 $0x1  }
0xbd: {  	_ =	sfence.sel $0xFFFF  }
0xbe: {  	[dreg:$0x0] =	wrdreg $0xFFFFFFFF;
	(pc) =	sbr.abs _section_cstart, $3  }
0xbf: {  	[dreg:$0x1] =	wrdreg $0xFFFFFFFF  }
0xc0: {  	_ =	task.clear_ibuf [dreg:s6], $0x2FFFF;
	_ =	strace $0x9FFFFFFF  }
0xc1: {  	(tm) =	ssettm $0x7FFFFFFF  }
tec
execute0_lowered:
.L_overlay_start_1:
0x0: {  	(tag) =	ssettag $0x1  }
0x1: {  	s1 =	srdreg.scid;
	s0 =	stileid.u32  }
0x2: {  	s4 =	sand.u32 $0x1, s1;
	s31 =	sshll.u32 s0, $0x1  }
0x3: {  	s5 =	sor.u32 s4, s31  }
0x4: {  	p1 =	seq.s32 s4, $0x1;
	p0 =	seq.s32 s5, $0x0  }
0x5: {  	p0 =	por !p0, !p1  }
0x6: {  	s1 =	simm.s32 $0x1;
	p0 =	por !p0, !p0  }
0x7: {  	s3 =	simm.s32 $0x18;
	s7 =	rddreg [dreg:$0x0];
	s1 =	simm.s32 @!p0 $0x0  }
0x8: {  	s2 =	simm.s32 $0x0;
	s11 =	simm.s32 $0x3000;
	s1 =	ssub.s32 s0, s1  }
0x9: {  	s12 =	simm.s32 $0x2;
	s13 =	simm.s32 $0xD0;
	s6 =	smul.u32 $0x30, s1  }
0xa: {  	s14 =	simm.s32 $0x100;
	s15 =	simm.s32 $0x3;
	s3 =	simm.s32 @!p1 $0x0  }
0xb: {  	s16 =	simm.s32 $0x0;
	s4 =	ssub.s32 $0x2, s4;
	s8 =	sadd.s32 s3, s6  }
0xc: {  	[smem:$0x7FF] =	sst s2;
	s9 =	sshrl.u32 s4, $0x1;
	s6 =	smul.u32 $0x3000, s8  }
.Ltmp0:
0xd: {  	v0 =	vimm.f32 $0.0e+00;
	v1 =	vlaneseq.u32;
	v2 =	vimm.f32 $1.000000000e+00;
	s5 =	sshll.u32 s5, $0xE;
	s9 =	ssub.s32 s4, s9;
	(pc) =	sbr.rel .LBB2_1-.Ltmp0, $4  }
0xe: {  	v3 =	vor.u32 $0x10, v1;
	v4 =	vor.u32 $0x20, v1;
	v5 =	vor.u32 $0x30, v1;
	s10 =	sadd.s32 s5, s7;
	s5 =	simm.s32 $0x1;
	s9 =	smax.u32 s9, $0x1  }
0xf: {  	v6 =	vor.u32 $0x40, v1;
	v7 =	vor.u32 $0x50, v1;
	v8 =	vor.u32 $0x60, v1;
	s1 =	rddreg [dreg:$0x1];
	s3 =	sadd.s32 $0x120C00, s7;
	s6 =	sshrl.u32 s6, $0x3  }
0x10: {  	v9 =	vor.u32 $0x70, v1;
	v10 =	vor.u32 $0x80, v1;
	v11 =	vor.u32 $0x90, v1;
	_ =	strace $0x8000004A;
	s7 =	sor.u32 $0x1, s8;
	s4 =	sadd.s32 s3, s6  }
0x11: {  	v12 =	vor.u32 $0xA0, v1;
	v13 =	vor.u32 $0xB0, v1;
	v14 =	vor.u32 $0xC0, v1;
	s8 =	sadd.s32 $0xC00, s10;
	s10 =	simm.s32 $0x1800;
	s6 =	sadd.s32 $0x300, s4  }
.LBB2_10:
0x12: {  	s16 =	sadd.s32 $0x1, s16  }
0x13: {  	p0 =	sne.s32 s16, s9  }
.Ltmp1:
0x14: {  	_ = 	snop;
	(pc) =	sbr.rel @!p0 .LBB2_11-.Ltmp1, $4  }
0x15: {  	[hbm4b:s8+s13] =	stream.strided.scatter [tilespmem:s11], [sflag:$0x3], $0x1A000, s14, s13, $0x38;
	[tilespmem:$0x1D000] =	vst v63  }
0x16: {  	_ =	swait.ge [sflag:s15], $0x1A000  }
0x17: {  	[sflag:s15] =	ssyncset.done $0x0  }
0x18: {  	[sflag:s15] =	ssyncadd.s32 $0xFFFE6000  }
.LBB2_1:
0x19: {  	s17 =	simm.s32 $0x0;
	s18 =	simm.s32 $0x340  }
.LBB2_2:
0x1a: {  	p0 =	sne.s32 s18, $0x67CC0;
	[tilespmem:s17+$0x30C0] =	vst v0  }
0x1b: {  	[tilespmem:s17+$0x3000] =	vst v0  }
0x1c: {  	[tilespmem:s17+$0x3010] =	vst v0  }
0x1d: {  	[tilespmem:s17+$0x3020] =	vst v0  }
0x1e: {  	[tilespmem:s17+$0x3030] =	vst v0  }
0x1f: {  	[tilespmem:s17+$0x3040] =	vst v0  }
0x20: {  	[tilespmem:s17+$0x3050] =	vst v0  }
0x21: {  	[tilespmem:s17+$0x3060] =	vst v0  }
.Ltmp2:
0x22: {  	[tilespmem:s17+$0x3070] =	vst v0;
	(pc) =	sbr.rel @p0 .LBB2_2-.Ltmp2, $4  }
0x23: {  	[tilespmem:s17+$0x3080] =	vst v0  }
0x24: {  	[tilespmem:s17+$0x3090] =	vst v0  }
0x25: {  	[tilespmem:s17+$0x30A0] =	vst v0  }
0x26: {  	[tilespmem:s17+$0x30B0] =	vst v0;
	s17 =	sshra.s32 s18, $0x2;
	s18 =	sadd.s32 $0x340, s18  }
0x27: {  	[tilespmem:s17+$0x30C0] =	vst v0  }
0x28: {  	[tilespmem:s17+$0x3000] =	vst v0  }
0x29: {  	[tilespmem:s17+$0x3010] =	vst v0  }
0x2a: {  	[tilespmem:s17+$0x3020] =	vst v0  }
0x2b: {  	[tilespmem:s17+$0x3030] =	vst v0  }
0x2c: {  	[tilespmem:s17+$0x3040] =	vst v0  }
0x2d: {  	[tilespmem:s17+$0x3050] =	vst v0  }
0x2e: {  	[tilespmem:s17+$0x3060] =	vst v0  }
0x2f: {  	[tilespmem:s17+$0x3070] =	vst v0  }
0x30: {  	[tilespmem:s17+$0x3080] =	vst v0  }
0x31: {  	[tilespmem:s17+$0x3090] =	vst v0  }
0x32: {  	[tilespmem:s17+$0x30A0] =	vst v0  }
0x33: {  	[tilespmem:s17+$0x30B0] =	vst v0;
	s17 =	simm.s32 $0x0  }
0x34: {  	[tilespmem:s17], [sflag:$0x1] =	stream.linear.gather [hbm4b:s4+s17], $0x1800, $0x38;
	[tilespmem:$0x1D000] =	vst v63  }
0x35: {  	_ = 	snop  }
0x36: {  	[tilespmem:s10], [sflag:$0x2] =	stream.linear.gather [hbm4b:s6+s17], $0x1800, $0x38;
	[tilespmem:$0x1D000] =	vst v63  }
.LBB2_4:
0x37: {  	_ =	swait.ge [sflag:s5], $0x1800  }
0x38: {  	[sflag:s5] =	ssyncset.done $0x0  }
0x39: {  	s18 =	simm.s32 $0x100;
	[sflag:s5] =	ssyncadd.s32 $0xFFFFE800  }
0x3a: {  	v15 =	vld [tilespmem:s18+$0x0];
	_ =	sdelay $0x4  }
0x3b: {  	v15 =	vmul.u32 $0xD0, v15  }
0x3c: {  	v16 =	vld [tilespmem:s18+$0xFFFFFF00]  }
0x3d: {  	v15 =	vor.u32 v1, v15;
	_ =	sdelay $0x3  }
0x3e: {  	v16 =	vmul.u32 $0xD0, v16  }
0x3f: {  	[tilespmem:v15+s11+$0x0] =	vst.idx.add.f32.msk $0xffff, v2  }
0x40: {  	v15 =	vor.u32 v1, v16;
	v16 =	vld [tilespmem:s18+$0x10];
	_ =	sdelay $0x4  }
0x41: {  	[tilespmem:v15+s11+$0x0] =	vst.idx.add.f32.msk $0xffff, v2;
	v15 =	vmul.u32 $0xD0, v16  }
0x42: {  	v16 =	vld [tilespmem:s18+$0xFFFFFF10]  }
0x43: {  	v15 =	vadd.s32 v3, v15;
	_ =	sdelay $0x3  }
0x44: {  	v16 =	vmul.u32 $0xD0, v16  }
0x45: {  	[tilespmem:v15+s11+$0x0] =	vst.idx.add.f32.msk $0xffff, v2  }
0x46: {  	v15 =	vadd.s32 v3, v16;
	v16 =	vld [tilespmem:s18+$0x20];
	_ =	sdelay $0x4  }
0x47: {  	[tilespmem:v15+s11+$0x0] =	vst.idx.add.f32.msk $0xffff, v2;
	v15 =	vmul.u32 $0xD0, v16  }
0x48: {  	v16 =	vld [tilespmem:s18+$0xFFFFFF20]  }
0x49: {  	v15 =	vadd.s32 v4, v15;
	_ =	sdelay $0x3  }
0x4a: {  	v16 =	vmul.u32 $0xD0, v16  }
0x4b: {  	[tilespmem:v15+s11+$0x0] =	vst.idx.add.f32.msk $0xffff, v2  }
0x4c: {  	v15 =	vadd.s32 v4, v16;
	v16 =	vld [tilespmem:s18+$0x30];
	_ =	sdelay $0x4  }
0x4d: {  	[tilespmem:v15+s11+$0x0] =	vst.idx.add.f32.msk $0xffff, v2;
	v15 =	vmul.u32 $0xD0, v16  }
0x4e: {  	v16 =	vld [tilespmem:s18+$0xFFFFFF30]  }
0x4f: {  	v15 =	vadd.s32 v5, v15;
	_ =	sdelay $0x1  }
0x50: {  	s19 =	simm.s32 $0x300  }
0x51: {  	v17 =	vld [tilespmem:s19+$0x0]  }
0x52: {  	v16 =	vmul.u32 $0xD0, v16  }
0x53: {  	[tilespmem:v15+s11+$0x0] =	vst.idx.add.f32.msk $0xffff, v2  }
0x54: {  	v15 =	vadd.s32 v5, v16;
	v16 =	vld [tilespmem:s18+$0x40];
	_ =	sdelay $0x1  }
0x55: {  	v18 =	vld [tilespmem:s19+$0xFFFFFF00];
	v17 =	vmul.u32 $0xD0, v17;
	_ =	sdelay $0x1  }
0x56: {  	v17 =	vor.u32 v1, v17  }
0x57: {  	[tilespmem:v15+s11+$0x0] =	vst.idx.add.f32.msk $0xffff, v2;
	v15 =	vmul.u32 $0xD0, v16  }
0x58: {  	v16 =	vld [tilespmem:s18+$0xFFFFFF40]  }
0x59: {  	v18 =	vmul.u32 $0xD0, v18;
	v15 =	vadd.s32 v6, v15;
	_ =	sdelay $0x1  }
0x5a: {  	[tilespmem:v17+s11+$0x0] =	vst.idx.add.f32.msk $0xffff, v2;
	v17 =	vor.u32 v1, v18  }
0x5b: {  	v18 =	vld [tilespmem:s19+$0x10]  }
0x5c: {  	v16 =	vmul.u32 $0xD0, v16  }
0x5d: {  	[tilespmem:v15+s11+$0x0] =	vst.idx.add.f32.msk $0xffff, v2  }
0x5e: {  	v15 =	vadd.s32 v6, v16;
	v16 =	vld [tilespmem:s18+$0x50]  }
0x5f: {  	[tilespmem:v17+s11+$0x0] =	vst.idx.add.f32.msk $0xffff, v2  }
0x60: {  	v17 =	vmul.u32 $0xD0, v18;
	v18 =	vld [tilespmem:s19+$0xFFFFFF10];
	_ =	sdelay $0x1  }
0x61: {  	v17 =	vadd.s32 v3, v17  }
0x62: {  	[tilespmem:v15+s11+$0x0] =	vst.idx.add.f32.msk $0xffff, v2;
	v15 =	vmul.u32 $0xD0, v16  }
0x63: {  	v16 =	vld [tilespmem:s18+$0xFFFFFF50]  }
0x64: {  	v18 =	vmul.u32 $0xD0, v18;
	v15 =	vadd.s32 v7, v15;
	_ =	sdelay $0x1  }
0x65: {  	[tilespmem:v17+s11+$0x0] =	vst.idx.add.f32.msk $0xffff, v2;
	v17 =	vadd.s32 v3, v18  }
0x66: {  	v18 =	vld [tilespmem:s19+$0x20]  }
0x67: {  	v16 =	vmul.u32 $0xD0, v16  }
0x68: {  	[tilespmem:v15+s11+$0x0] =	vst.idx.add.f32.msk $0xffff, v2  }
0x69: {  	v15 =	vadd.s32 v7, v16;
	v16 =	vld [tilespmem:s18+$0x60]  }
0x6a: {  	[tilespmem:v17+s11+$0x0] =	vst.idx.add.f32.msk $0xffff, v2  }
0x6b: {  	v17 =	vmul.u32 $0xD0, v18;
	v18 =	vld [tilespmem:s19+$0xFFFFFF20];
	_ =	sdelay $0x1  }
0x6c: {  	v17 =	vadd.s32 v4, v17  }
0x6d: {  	[tilespmem:v15+s11+$0x0] =	vst.idx.add.f32.msk $0xffff, v2;
	v15 =	vmul.u32 $0xD0, v16  }
0x6e: {  	v16 =	vld [tilespmem:s18+$0xFFFFFF60]  }
0x6f: {  	v18 =	vmul.u32 $0xD0, v18;
	v15 =	vadd.s32 v8, v15;
	_ =	sdelay $0x1  }
0x70: {  	[tilespmem:v17+s11+$0x0] =	vst.idx.add.f32.msk $0xffff, v2;
	v17 =	vadd.s32 v4, v18  }
0x71: {  	s20 =	simm.s32 $0x500;
	v18 =	vld [tilespmem:s19+$0x30]  }
0x72: {  	v19 =	vld [tilespmem:s20+$0x0];
	v16 =	vmul.u32 $0xD0, v16  }
0x73: {  	[tilespmem:v15+s11+$0x0] =	vst.idx.add.f32.msk $0xffff, v2  }
0x74: {  	v15 =	vadd.s32 v8, v16;
	v16 =	vld [tilespmem:s18+$0x70]  }
0x75: {  	[tilespmem:v17+s11+$0x0] =	vst.idx.add.f32.msk $0xffff, v2  }
0x76: {  	v17 =	vmul.u32 $0xD0, v18;
	v18 =	vld [tilespmem:s19+$0xFFFFFF30];
	_ =	sdelay $0x1  }
0x77: {  	v19 =	vmul.u32 $0xD0, v19;
	v17 =	vadd.s32 v5, v17  }
0x78: {  	[tilespmem:v15+s11+$0x0] =	vst.idx.add.f32.msk $0xffff, v2;
	v15 =	vmul.u32 $0xD0, v16  }
0x79: {  	v19 =	vor.u32 v1, v19;
	v16 =	vld [tilespmem:s18+$0xFFFFFF70]  }
0x7a: {  	v18 =	vmul.u32 $0xD0, v18;
	v15 =	vadd.s32 v9, v15  }
0x7b: {  	v20 =	vld [tilespmem:s20+$0xFFFFFF00]  }
0x7c: {  	[tilespmem:v17+s11+$0x0] =	vst.idx.add.f32.msk $0xffff, v2;
	v17 =	vadd.s32 v5, v18  }
0x7d: {  	v18 =	vld [tilespmem:s19+$0x40]  }
0x7e: {  	[tilespmem:v19+s11+$0x0] =	vst.idx.add.f32.msk $0xffff, v2;
	v16 =	vmul.u32 $0xD0, v16  }
0x7f: {  	[tilespmem:v15+s11+$0x0] =	vst.idx.add.f32.msk $0xffff, v2  }
0x80: {  	v20 =	vmul.u32 $0xD0, v20;
	v15 =	vadd.s32 v9, v16;
	v16 =	vld [tilespmem:s18+$0x80]  }
0x81: {  	[tilespmem:v17+s11+$0x0] =	vst.idx.add.f32.msk $0xffff, v2  }
0x82: {  	v19 =	vor.u32 v1, v20;
	v17 =	vmul.u32 $0xD0, v18;
	v18 =	vld [tilespmem:s19+$0xFFFFFF40]  }
0x83: {  	v20 =	vld [tilespmem:s20+$0x10]  }
0x84: {  	v17 =	vadd.s32 v6, v17  }
0x85: {  	[tilespmem:v15+s11+$0x0] =	vst.idx.add.f32.msk $0xffff, v2;
	v15 =	vmul.u32 $0xD0, v16  }
0x86: {  	v16 =	vld [tilespmem:s18+$0xFFFFFF80]  }
0x87: {  	[tilespmem:v19+s11+$0x0] =	vst.idx.add.f32.msk $0xffff, v2;
	v18 =	vmul.u32 $0xD0, v18;
	v15 =	vadd.s32 v10, v15  }
0x88: {  	v19 =	vmul.u32 $0xD0, v20;
	v20 =	vld [tilespmem:s20+$0xFFFFFF10]  }
0x89: {  	[tilespmem:v17+s11+$0x0] =	vst.idx.add.f32.msk $0xffff, v2;
	v17 =	vadd.s32 v6, v18  }
0x8a: {  	v18 =	vld [tilespmem:s19+$0x50]  }
0x8b: {  	v19 =	vadd.s32 v3, v19;
	v16 =	vmul.u32 $0xD0, v16  }
0x8c: {  	[tilespmem:v15+s11+$0x0] =	vst.idx.add.f32.msk $0xffff, v2  }
0x8d: {  	v15 =	vadd.s32 v10, v16;
	v16 =	vld [tilespmem:s18+$0x90]  }
0x8e: {  	v20 =	vmul.u32 $0xD0, v20;
	[tilespmem:v17+s11+$0x0] =	vst.idx.add.f32.msk $0xffff, v2  }
0x8f: {  	v17 =	vmul.u32 $0xD0, v18;
	v18 =	vld [tilespmem:s19+$0xFFFFFF50]  }
0x90: {  	[tilespmem:v19+s11+$0x0] =	vst.idx.add.f32.msk $0xffff, v2;
	v19 =	vadd.s32 v3, v20  }
0x91: {  	v20 =	vld [tilespmem:s20+$0x20];
	v17 =	vadd.s32 v7, v17  }
0x92: {  	[tilespmem:v15+s11+$0x0] =	vst.idx.add.f32.msk $0xffff, v2;
	v15 =	vmul.u32 $0xD0, v16  }
0x93: {  	v16 =	vld [tilespmem:s18+$0xFFFFFF90]  }
0x94: {  	v18 =	vmul.u32 $0xD0, v18;
	v15 =	vadd.s32 v11, v15  }
0x95: {  	[tilespmem:v19+s11+$0x0] =	vst.idx.add.f32.msk $0xffff, v2  }
0x96: {  	[tilespmem:v17+s11+$0x0] =	vst.idx.add.f32.msk $0xffff, v2;
	v17 =	vadd.s32 v7, v18  }
0x97: {  	v19 =	vmul.u32 $0xD0, v20;
	v18 =	vld [tilespmem:s19+$0x60]  }
0x98: {  	v20 =	vld [tilespmem:s20+$0xFFFFFF20];
	v16 =	vmul.u32 $0xD0, v16  }
0x99: {  	v19 =	vadd.s32 v4, v19;
	[tilespmem:v15+s11+$0x0] =	vst.idx.add.f32.msk $0xffff, v2  }
0x9a: {  	v15 =	vadd.s32 v11, v16;
	v16 =	vld [tilespmem:s18+$0xA0]  }
0x9b: {  	[tilespmem:v17+s11+$0x0] =	vst.idx.add.f32.msk $0xffff, v2  }
0x9c: {  	v17 =	vmul.u32 $0xD0, v18;
	v18 =	vld [tilespmem:s19+$0xFFFFFF60]  }
0x9d: {  	v20 =	vmul.u32 $0xD0, v20  }
0x9e: {  	[tilespmem:v19+s11+$0x0] =	vst.idx.add.f32.msk $0xffff, v2;
	v17 =	vadd.s32 v8, v17  }
0x9f: {  	v19 =	vadd.s32 v4, v20;
	[tilespmem:v15+s11+$0x0] =	vst.idx.add.f32.msk $0xffff, v2;
	v15 =	vmul.u32 $0xD0, v16  }
0xa0: {  	v16 =	vld [tilespmem:s18+$0xFFFFFFA0]  }
0xa1: {  	v18 =	vmul.u32 $0xD0, v18;
	v15 =	vadd.s32 v12, v15  }
0xa2: {  	v20 =	vld [tilespmem:s20+$0x30]  }
0xa3: {  	[tilespmem:v17+s11+$0x0] =	vst.idx.add.f32.msk $0xffff, v2;
	v17 =	vadd.s32 v8, v18  }
0xa4: {  	[tilespmem:v19+s11+$0x0] =	vst.idx.add.f32.msk $0xffff, v2  }
0xa5: {  	v18 =	vld [tilespmem:s19+$0x70];
	v16 =	vmul.u32 $0xD0, v16  }
0xa6: {  	[tilespmem:v15+s11+$0x0] =	vst.idx.add.f32.msk $0xffff, v2  }
0xa7: {  	v15 =	vadd.s32 v12, v16;
	v16 =	vld [tilespmem:s18+$0xB0]  }
0xa8: {  	[tilespmem:v17+s11+$0x0] =	vst.idx.add.f32.msk $0xffff, v2;
	v17 =	vmul.u32 $0xD0, v20  }
0xa9: {  	v19 =	vld [tilespmem:s20+$0xFFFFFF30]  }
0xaa: {  	v21 =	vmul.u32 $0xD0, v18;
	v20 =	vadd.s32 v5, v17  }
0xab: {  	v18 =	vld [tilespmem:s19+$0xFFFFFF70]  }
0xac: {  	v17 =	vadd.s32 v9, v21;
	[tilespmem:v15+s11+$0x0] =	vst.idx.add.f32.msk $0xffff, v2;
	v16 =	vmul.u32 $0xD0, v16  }
0xad: {  	s21 =	simm.s32 $0x4;
	s22 =	simm.s32 $0x700;
	v15 =	vld [tilespmem:s18+$0xFFFFFFB0]  }
.LBB2_5:
0xae: {  	v21 =	vld [tilespmem:s22+$0x0];
	v19 =	vmul.u32 $0xD0, v19;
	v16 =	vadd.s32 v13, v16  }
0xaf: {  	[tilespmem:v20+s11+$0x0] =	vst.idx.add.f32.msk $0xffff, v2  }
0xb0: {  	v19 =	vadd.s32 v5, v19;
	v20 =	vld [tilespmem:s20+$0x40];
	v18 =	vmul.u32 $0xD0, v18  }
0xb1: {  	[tilespmem:v17+s11+$0x0] =	vst.idx.add.f32.msk $0xffff, v2  }
0xb2: {  	v17 =	vadd.s32 v9, v18;
	v18 =	vld [tilespmem:s19+$0x80];
	v15 =	vmul.u32 $0xD0, v15  }
0xb3: {  	[tilespmem:v16+s11+$0x0] =	vst.idx.add.f32.msk $0xffff, v2  }
0xb4: {  	s21 =	sadd.s32 $0x2, s21;
	v16 =	vmul.u32 $0xD0, v21;
	v15 =	vadd.s32 v13, v15;
	v21 =	vld [tilespmem:s18+$0xC0]  }
0xb5: {  	p0 =	slt.u32 s21, $0x16;
	v22 =	vld [tilespmem:s22+$0xFFFFFF00]  }
0xb6: {  	v16 =	vor.u32 v1, v16;
	[tilespmem:v19+s11+$0x0] =	vst.idx.add.f32.msk $0xffff, v2;
	v19 =	vmul.u32 $0xD0, v20  }
0xb7: {  	v20 =	vld [tilespmem:s20+$0xFFFFFF40]  }
0xb8: {  	v19 =	vadd.s32 v6, v19;
	[tilespmem:v17+s11+$0x0] =	vst.idx.add.f32.msk $0xffff, v2;
	v17 =	vmul.u32 $0xD0, v18  }
0xb9: {  	v18 =	vld [tilespmem:s19+$0xFFFFFF80];
	v21 =	vmul.u32 $0xD0, v21  }
0xba: {  	v22 =	vmul.u32 $0xD0, v22;
	v17 =	vadd.s32 v10, v17;
	[tilespmem:v15+s11+$0x0] =	vst.idx.add.f32.msk $0xffff, v2  }
0xbb: {  	[tilespmem:v16+s11+$0x0] =	vst.idx.add.f32.msk $0xffff, v2;
	v15 =	vadd.s32 v14, v21  }
0xbc: {  	v16 =	vor.u32 v1, v22;
	v21 =	vld [tilespmem:s22+$0x10];
	v20 =	vmul.u32 $0xD0, v20  }
0xbd: {  	[tilespmem:v19+s11+$0x0] =	vst.idx.add.f32.msk $0xffff, v2  }
0xbe: {  	v19 =	vadd.s32 v6, v20;
	v20 =	vld [tilespmem:s20+$0x50];
	v18 =	vmul.u32 $0xD0, v18  }
0xbf: {  	[tilespmem:v17+s11+$0x0] =	vst.idx.add.f32.msk $0xffff, v2  }
0xc0: {  	v17 =	vadd.s32 v10, v18;
	[tilespmem:v15+s11+$0x0] =	vst.idx.add.f32.msk $0xff, v2  }
0xc1: {  	v15 =	vld [tilespmem:s19+$0x90]  }
0xc2: {  	[tilespmem:v16+s11+$0x0] =	vst.idx.add.f32.msk $0xffff, v2;
	v16 =	vmul.u32 $0xD0, v21  }
0xc3: {  	v18 =	vld [tilespmem:s22+$0xFFFFFF10]  }
0xc4: {  	v16 =	vadd.s32 v3, v16;
	[tilespmem:v19+s11+$0x0] =	vst.idx.add.f32.msk $0xffff, v2;
	v19 =	vmul.u32 $0xD0, v20  }
0xc5: {  	v20 =	vld [tilespmem:s20+$0xFFFFFF50]  }
0xc6: {  	v19 =	vadd.s32 v7, v19;
	[tilespmem:v17+s11+$0x0] =	vst.idx.add.f32.msk $0xffff, v2;
	v15 =	vmul.u32 $0xD0, v15  }
0xc7: {  	v17 =	vld [tilespmem:s19+$0xFFFFFF90]  }
0xc8: {  	v18 =	vmul.u32 $0xD0, v18;
	v15 =	vadd.s32 v11, v15;
	v21 =	vld [tilespmem:s18+$0xFFFFFFC0];
	s18 =	smov.u32 s19;
	s19 =	smov.u32 s20;
	s20 =	smov.u32 s22  }
0xc9: {  	[tilespmem:v16+s11+$0x0] =	vst.idx.add.f32.msk $0xffff, v2  }
0xca: {  	v16 =	vadd.s32 v3, v18;
	v18 =	vld [tilespmem:s22+$0x20];
	v20 =	vmul.u32 $0xD0, v20  }
0xcb: {  	[tilespmem:v19+s11+$0x0] =	vst.idx.add.f32.msk $0xffff, v2  }
0xcc: {  	v19 =	vadd.s32 v7, v20;
	v20 =	vld [tilespmem:s19+$0x60];
	v17 =	vmul.u32 $0xD0, v17  }
0xcd: {  	[tilespmem:v15+s11+$0x0] =	vst.idx.add.f32.msk $0xffff, v2;
	v15 =	vmul.u32 $0xD0, v21  }
0xce: {  	v17 =	vadd.s32 v11, v17;
	v21 =	vld [tilespmem:s18+$0xA0]  }
0xcf: {  	[tilespmem:v16+s11+$0x0] =	vst.idx.add.f32.msk $0xffff, v2;
	v16 =	vmul.u32 $0xD0, v18;
	v15 =	vadd.s32 v14, v15  }
0xd0: {  	v18 =	vld [tilespmem:s22+$0xFFFFFF20]  }
0xd1: {  	v16 =	vadd.s32 v4, v16;
	[tilespmem:v19+s11+$0x0] =	vst.idx.add.f32.msk $0xffff, v2;
	v19 =	vmul.u32 $0xD0, v20  }
0xd2: {  	v20 =	vld [tilespmem:s19+$0xFFFFFF60]  }
0xd3: {  	v19 =	vadd.s32 v8, v19;
	[tilespmem:v17+s11+$0x0] =	vst.idx.add.f32.msk $0xffff, v2;
	v17 =	vmul.u32 $0xD0, v21  }
0xd4: {  	v21 =	vld [tilespmem:s18+$0xFFFFFFA0]  }
0xd5: {  	v18 =	vmul.u32 $0xD0, v18;
	v17 =	vadd.s32 v12, v17;
	[tilespmem:v15+s11+$0x0] =	vst.idx.add.f32.msk $0xff, v2  }
0xd6: {  	[tilespmem:v16+s11+$0x0] =	vst.idx.add.f32.msk $0xffff, v2  }
0xd7: {  	v15 =	vadd.s32 v4, v18;
	v16 =	vld [tilespmem:s22+$0x30];
	v18 =	vmul.u32 $0xD0, v20  }
0xd8: {  	[tilespmem:v19+s11+$0x0] =	vst.idx.add.f32.msk $0xffff, v2  }
0xd9: {  	v18 =	vadd.s32 v8, v18;
	v22 =	vld [tilespmem:s19+$0x70];
	v19 =	vmul.u32 $0xD0, v21  }
0xda: {  	[tilespmem:v17+s11+$0x0] =	vst.idx.add.f32.msk $0xffff, v2  }
0xdb: {  	v21 =	vadd.s32 v12, v19;
	v23 =	vld [tilespmem:s18+$0xB0]  }
0xdc: {  	[tilespmem:v15+s11+$0x0] =	vst.idx.add.f32.msk $0xffff, v2;
	v15 =	vmul.u32 $0xD0, v16  }
.Ltmp3:
0xdd: {  	v19 =	vld [tilespmem:s22+$0xFFFFFF30];
	(pc) =	sbr.rel @p0 .LBB2_5-.Ltmp3, $4  }
0xde: {  	v20 =	vadd.s32 v5, v15;
	[tilespmem:v18+s11+$0x0] =	vst.idx.add.f32.msk $0xffff, v2;
	v15 =	vmul.u32 $0xD0, v22  }
0xdf: {  	v18 =	vld [tilespmem:s19+$0xFFFFFF70]  }
0xe0: {  	v17 =	vadd.s32 v9, v15;
	[tilespmem:v21+s11+$0x0] =	vst.idx.add.f32.msk $0xffff, v2;
	v16 =	vmul.u32 $0xD0, v23  }
0xe1: {  	s22 =	sadd.s32 $0x200, s22;
	v15 =	vld [tilespmem:s18+$0xFFFFFFB0]  }
0xe2: {  	v19 =	vmul.u32 $0xD0, v19;
	_ =	sdelay $0x1  }
0xe3: {  	v19 =	vadd.s32 v5, v19;
	_ =	sdelay $0x2  }
0xe4: {  	[tilespmem:v20+s11+$0x0] =	vst.idx.add.f32.msk $0xffff, v2  }
0xe5: {  	v20 =	vld [tilespmem:s20+$0x40]  }
0xe6: {  	[tilespmem:v19+s11+$0x0] =	vst.idx.add.f32.msk $0xffff, v2  }
0xe7: {  	v19 =	vld [tilespmem:s20+$0xFFFFFF40];
	_ =	sdelay $0x2  }
0xe8: {  	v20 =	vmul.u32 $0xD0, v20;
	_ =	sdelay $0x1  }
0xe9: {  	v20 =	vadd.s32 v6, v20;
	v19 =	vmul.u32 $0xD0, v19;
	_ =	sdelay $0x1  }
0xea: {  	v19 =	vadd.s32 v6, v19;
	_ =	sdelay $0x2  }
0xeb: {  	[tilespmem:v20+s11+$0x0] =	vst.idx.add.f32.msk $0xffff, v2  }
0xec: {  	v20 =	vld [tilespmem:s20+$0x50]  }
0xed: {  	[tilespmem:v19+s11+$0x0] =	vst.idx.add.f32.msk $0xffff, v2  }
0xee: {  	v19 =	vld [tilespmem:s20+$0xFFFFFF50];
	_ =	sdelay $0x2  }
0xef: {  	v20 =	vmul.u32 $0xD0, v20;
	_ =	sdelay $0x1  }
0xf0: {  	v20 =	vadd.s32 v7, v20;
	v19 =	vmul.u32 $0xD0, v19;
	_ =	sdelay $0x1  }
0xf1: {  	v19 =	vadd.s32 v7, v19;
	_ =	sdelay $0x2  }
0xf2: {  	[tilespmem:v20+s11+$0x0] =	vst.idx.add.f32.msk $0xffff, v2  }
0xf3: {  	v20 =	vld [tilespmem:s20+$0x60]  }
0xf4: {  	[tilespmem:v19+s11+$0x0] =	vst.idx.add.f32.msk $0xffff, v2  }
0xf5: {  	v19 =	vld [tilespmem:s20+$0xFFFFFF60];
	_ =	sdelay $0x2  }
0xf6: {  	v20 =	vmul.u32 $0xD0, v20;
	_ =	sdelay $0x1  }
0xf7: {  	v20 =	vadd.s32 v8, v20;
	v19 =	vmul.u32 $0xD0, v19;
	_ =	sdelay $0x1  }
0xf8: {  	v19 =	vadd.s32 v8, v19;
	_ =	sdelay $0x2  }
0xf9: {  	[tilespmem:v20+s11+$0x0] =	vst.idx.add.f32.msk $0xffff, v2  }
0xfa: {  	v20 =	vld [tilespmem:s20+$0x70]  }
0xfb: {  	[tilespmem:v19+s11+$0x0] =	vst.idx.add.f32.msk $0xffff, v2  }
0xfc: {  	v19 =	vld [tilespmem:s20+$0xFFFFFF70]  }
0xfd: {  	v18 =	vmul.u32 $0xD0, v18;
	_ =	sdelay $0x1  }
0xfe: {  	v18 =	vadd.s32 v9, v18;
	v20 =	vmul.u32 $0xD0, v20;
	_ =	sdelay $0x1  }
0xff: {  	v20 =	vadd.s32 v9, v20;
	v19 =	vmul.u32 $0xD0, v19  }
0x100: {  	[tilespmem:v17+s11+$0x0] =	vst.idx.add.f32.msk $0xffff, v2  }
0x101: {  	v17 =	vld [tilespmem:s19+$0x80];
	v19 =	vadd.s32 v9, v19  }
0x102: {  	[tilespmem:v18+s11+$0x0] =	vst.idx.add.f32.msk $0xffff, v2  }
0x103: {  	v18 =	vld [tilespmem:s19+$0xFFFFFF80]  }
0x104: {  	[tilespmem:v20+s11+$0x0] =	vst.idx.add.f32.msk $0xffff, v2  }
0x105: {  	v20 =	vld [tilespmem:s20+$0x80]  }
0x106: {  	v17 =	vmul.u32 $0xD0, v17;
	[tilespmem:v19+s11+$0x0] =	vst.idx.add.f32.msk $0xffff, v2  }
0x107: {  	v19 =	vld [tilespmem:s20+$0xFFFFFF80]  }
0x108: {  	v17 =	vadd.s32 v10, v17;
	v18 =	vmul.u32 $0xD0, v18;
	_ =	sdelay $0x1  }
0x109: {  	v18 =	vadd.s32 v10, v18;
	v20 =	vmul.u32 $0xD0, v20;
	_ =	sdelay $0x1  }
0x10a: {  	v20 =	vadd.s32 v10, v20;
	v19 =	vmul.u32 $0xD0, v19  }
0x10b: {  	[tilespmem:v17+s11+$0x0] =	vst.idx.add.f32.msk $0xffff, v2  }
0x10c: {  	v17 =	vld [tilespmem:s19+$0x90];
	v19 =	vadd.s32 v10, v19  }
0x10d: {  	[tilespmem:v18+s11+$0x0] =	vst.idx.add.f32.msk $0xffff, v2  }
0x10e: {  	v18 =	vld [tilespmem:s19+$0xFFFFFF90]  }
0x10f: {  	[tilespmem:v20+s11+$0x0] =	vst.idx.add.f32.msk $0xffff, v2  }
0x110: {  	v20 =	vld [tilespmem:s20+$0x90]  }
0x111: {  	v17 =	vmul.u32 $0xD0, v17;
	[tilespmem:v19+s11+$0x0] =	vst.idx.add.f32.msk $0xffff, v2  }
0x112: {  	v19 =	vld [tilespmem:s20+$0xFFFFFF90]  }
0x113: {  	v17 =	vadd.s32 v11, v17;
	v18 =	vmul.u32 $0xD0, v18;
	_ =	sdelay $0x1  }
0x114: {  	v18 =	vadd.s32 v11, v18;
	v20 =	vmul.u32 $0xD0, v20;
	_ =	sdelay $0x1  }
0x115: {  	v20 =	vadd.s32 v11, v20;
	v19 =	vmul.u32 $0xD0, v19  }
0x116: {  	[tilespmem:v17+s11+$0x0] =	vst.idx.add.f32.msk $0xffff, v2  }
0x117: {  	v17 =	vld [tilespmem:s19+$0xA0];
	v19 =	vadd.s32 v11, v19  }
0x118: {  	[tilespmem:v18+s11+$0x0] =	vst.idx.add.f32.msk $0xffff, v2  }
0x119: {  	v18 =	vld [tilespmem:s19+$0xFFFFFFA0]  }
0x11a: {  	[tilespmem:v20+s11+$0x0] =	vst.idx.add.f32.msk $0xffff, v2  }
0x11b: {  	v20 =	vld [tilespmem:s20+$0xA0]  }
0x11c: {  	v17 =	vmul.u32 $0xD0, v17;
	[tilespmem:v19+s11+$0x0] =	vst.idx.add.f32.msk $0xffff, v2  }
0x11d: {  	v19 =	vld [tilespmem:s20+$0xFFFFFFA0]  }
0x11e: {  	v17 =	vadd.s32 v12, v17;
	v18 =	vmul.u32 $0xD0, v18;
	_ =	sdelay $0x1  }
0x11f: {  	v18 =	vadd.s32 v12, v18;
	v20 =	vmul.u32 $0xD0, v20;
	_ =	sdelay $0x1  }
0x120: {  	v20 =	vadd.s32 v12, v20;
	v19 =	vmul.u32 $0xD0, v19  }
0x121: {  	[tilespmem:v17+s11+$0x0] =	vst.idx.add.f32.msk $0xffff, v2  }
0x122: {  	v17 =	vld [tilespmem:s19+$0xB0];
	v19 =	vadd.s32 v12, v19  }
0x123: {  	[tilespmem:v18+s11+$0x0] =	vst.idx.add.f32.msk $0xffff, v2  }
0x124: {  	v18 =	vld [tilespmem:s19+$0xFFFFFFB0]  }
0x125: {  	v16 =	vadd.s32 v13, v16;
	v15 =	vmul.u32 $0xD0, v15;
	[tilespmem:v20+s11+$0x0] =	vst.idx.add.f32.msk $0xffff, v2  }
0x126: {  	v20 =	vld [tilespmem:s20+$0xB0]  }
0x127: {  	v15 =	vadd.s32 v13, v15;
	v17 =	vmul.u32 $0xD0, v17;
	[tilespmem:v19+s11+$0x0] =	vst.idx.add.f32.msk $0xffff, v2  }
0x128: {  	v19 =	vld [tilespmem:s20+$0xFFFFFFB0]  }
0x129: {  	v17 =	vadd.s32 v13, v17;
	v18 =	vmul.u32 $0xD0, v18  }
0x12a: {  	[tilespmem:v16+s11+$0x0] =	vst.idx.add.f32.msk $0xffff, v2  }
0x12b: {  	v16 =	vld [tilespmem:s18+$0xC0];
	v18 =	vadd.s32 v13, v18;
	v20 =	vmul.u32 $0xD0, v20  }
0x12c: {  	[tilespmem:v15+s11+$0x0] =	vst.idx.add.f32.msk $0xffff, v2  }
0x12d: {  	v15 =	vld [tilespmem:s18+$0xFFFFFFC0];
	v20 =	vadd.s32 v13, v20;
	v19 =	vmul.u32 $0xD0, v19  }
0x12e: {  	[tilespmem:v17+s11+$0x0] =	vst.idx.add.f32.msk $0xffff, v2  }
0x12f: {  	v17 =	vld [tilespmem:s19+$0xC0];
	v19 =	vadd.s32 v13, v19  }
0x130: {  	[tilespmem:v18+s11+$0x0] =	vst.idx.add.f32.msk $0xffff, v2  }
0x131: {  	v18 =	vld [tilespmem:s19+$0xFFFFFFC0]  }
0x132: {  	[tilespmem:v20+s11+$0x0] =	vst.idx.add.f32.msk $0xffff, v2  }
0x133: {  	v20 =	vld [tilespmem:s20+$0xC0]  }
0x134: {  	[tilespmem:v19+s11+$0x0] =	vst.idx.add.f32.msk $0xffff, v2  }
0x135: {  	v16 =	vmul.u32 $0xD0, v16;
	v19 =	vld [tilespmem:s20+$0xFFFFFFC0]  }
0x136: {  	v15 =	vmul.u32 $0xD0, v15  }
0x137: {  	v16 =	vadd.s32 v14, v16;
	v17 =	vmul.u32 $0xD0, v17  }
0x138: {  	v15 =	vadd.s32 v14, v15;
	v18 =	vmul.u32 $0xD0, v18  }
0x139: {  	v17 =	vadd.s32 v14, v17;
	v20 =	vmul.u32 $0xD0, v20  }
0x13a: {  	v18 =	vadd.s32 v14, v18;
	v19 =	vmul.u32 $0xD0, v19  }
0x13b: {  	v20 =	vadd.s32 v14, v20  }
0x13c: {  	p0 =	seq.s32 s17, $0x17;
	[tilespmem:v16+s11+$0x0] =	vst.idx.add.f32.msk $0xff, v2;
	v16 =	vadd.s32 v14, v19  }
0x13d: {  	s18 =	sadd.s32 @!p0 s17, s7;
	[tilespmem:v15+s11+$0x0] =	vst.idx.add.f32.msk $0xff, v2  }
0x13e: {  	s18 =	smul.u32 @!p0 $0x3000, s18;
	[tilespmem:v17+s11+$0x0] =	vst.idx.add.f32.msk $0xff, v2  }
0x13f: {  	[tilespmem:v18+s11+$0x0] =	vst.idx.add.f32.msk $0xff, v2  }
0x140: {  	s18 =	sshrl.u32 @!p0 s18, $0x3;
	[tilespmem:v20+s11+$0x0] =	vst.idx.add.f32.msk $0xff, v2  }
0x141: {  	s18 =	sadd.s32 @!p0 s3, s18;
	s19 =	simm.s32 @!p0 $0x0;
	[tilespmem:v16+s11+$0x0] =	vst.idx.add.f32.msk $0xff, v2  }
0x142: {  	[tilespmem:s19], [sflag:$0x1] =	stream.linear.gather @!p0 [hbm4b:s18+s19], $0x1800, $0x38;
	[tilespmem:$0x1D000] =	vst v63  }
0x143: {  	_ =	swait.ge [sflag:s12], $0x1800  }
0x144: {  	[sflag:s12] =	ssyncset.done $0x0  }
0x145: {  	s18 =	simm.s32 $0x19C0;
	[sflag:s12] =	ssyncadd.s32 $0xFFFFE800  }
0x146: {  	v15 =	vld [tilespmem:s18+$0xFFFFFF40];
	_ =	sdelay $0x4  }
0x147: {  	v15 =	vmul.u32 $0xD0, v15  }
0x148: {  	v16 =	vld [tilespmem:s18+$0xFFFFFE40]  }
0x149: {  	v15 =	vor.u32 v1, v15;
	_ =	sdelay $0x3  }
0x14a: {  	v16 =	vmul.u32 $0xD0, v16  }
0x14b: {  	[tilespmem:v15+s11+$0x0] =	vst.idx.add.f32.msk $0xffff, v2  }
0x14c: {  	v15 =	vor.u32 v1, v16;
	v16 =	vld [tilespmem:s18+$0xFFFFFF50];
	_ =	sdelay $0x4  }
0x14d: {  	[tilespmem:v15+s11+$0x0] =	vst.idx.add.f32.msk $0xffff, v2;
	v15 =	vmul.u32 $0xD0, v16  }
0x14e: {  	v16 =	vld [tilespmem:s18+$0xFFFFFE50]  }
0x14f: {  	v15 =	vadd.s32 v3, v15;
	_ =	sdelay $0x3  }
0x150: {  	v16 =	vmul.u32 $0xD0, v16  }
0x151: {  	[tilespmem:v15+s11+$0x0] =	vst.idx.add.f32.msk $0xffff, v2  }
0x152: {  	v15 =	vadd.s32 v3, v16;
	v16 =	vld [tilespmem:s18+$0xFFFFFF60];
	_ =	sdelay $0x4  }
0x153: {  	[tilespmem:v15+s11+$0x0] =	vst.idx.add.f32.msk $0xffff, v2;
	v15 =	vmul.u32 $0xD0, v16  }
0x154: {  	v16 =	vld [tilespmem:s18+$0xFFFFFE60]  }
0x155: {  	v15 =	vadd.s32 v4, v15;
	_ =	sdelay $0x3  }
0x156: {  	v16 =	vmul.u32 $0xD0, v16  }
0x157: {  	[tilespmem:v15+s11+$0x0] =	vst.idx.add.f32.msk $0xffff, v2  }
0x158: {  	v15 =	vadd.s32 v4, v16;
	v16 =	vld [tilespmem:s18+$0xFFFFFF70];
	_ =	sdelay $0x4  }
0x159: {  	[tilespmem:v15+s11+$0x0] =	vst.idx.add.f32.msk $0xffff, v2;
	v15 =	vmul.u32 $0xD0, v16  }
0x15a: {  	v16 =	vld [tilespmem:s18+$0xFFFFFE70]  }
0x15b: {  	v15 =	vadd.s32 v5, v15;
	_ =	sdelay $0x1  }
0x15c: {  	s19 =	simm.s32 $0x1BC0  }
0x15d: {  	v17 =	vld [tilespmem:s19+$0xFFFFFF40]  }
0x15e: {  	v16 =	vmul.u32 $0xD0, v16  }
0x15f: {  	[tilespmem:v15+s11+$0x0] =	vst.idx.add.f32.msk $0xffff, v2  }
0x160: {  	v15 =	vadd.s32 v5, v16;
	v16 =	vld [tilespmem:s18+$0xFFFFFF80];
	_ =	sdelay $0x1  }
0x161: {  	v18 =	vld [tilespmem:s19+$0xFFFFFE40];
	v17 =	vmul.u32 $0xD0, v17;
	_ =	sdelay $0x1  }
0x162: {  	v17 =	vor.u32 v1, v17  }
0x163: {  	[tilespmem:v15+s11+$0x0] =	vst.idx.add.f32.msk $0xffff, v2;
	v15 =	vmul.u32 $0xD0, v16  }
0x164: {  	v16 =	vld [tilespmem:s18+$0xFFFFFE80]  }
0x165: {  	v18 =	vmul.u32 $0xD0, v18;
	v15 =	vadd.s32 v6, v15;
	_ =	sdelay $0x1  }
0x166: {  	[tilespmem:v17+s11+$0x0] =	vst.idx.add.f32.msk $0xffff, v2;
	v17 =	vor.u32 v1, v18  }
0x167: {  	v18 =	vld [tilespmem:s19+$0xFFFFFF50]  }
0x168: {  	v16 =	vmul.u32 $0xD0, v16  }
0x169: {  	[tilespmem:v15+s11+$0x0] =	vst.idx.add.f32.msk $0xffff, v2  }
0x16a: {  	v15 =	vadd.s32 v6, v16;
	v16 =	vld [tilespmem:s18+$0xFFFFFF90]  }
0x16b: {  	[tilespmem:v17+s11+$0x0] =	vst.idx.add.f32.msk $0xffff, v2  }
0x16c: {  	v17 =	vmul.u32 $0xD0, v18;
	v18 =	vld [tilespmem:s19+$0xFFFFFE50];
	_ =	sdelay $0x1  }
0x16d: {  	v17 =	vadd.s32 v3, v17  }
0x16e: {  	[tilespmem:v15+s11+$0x0] =	vst.idx.add.f32.msk $0xffff, v2;
	v15 =	vmul.u32 $0xD0, v16  }
0x16f: {  	v16 =	vld [tilespmem:s18+$0xFFFFFE90]  }
0x170: {  	v18 =	vmul.u32 $0xD0, v18;
	v15 =	vadd.s32 v7, v15;
	_ =	sdelay $0x1  }
0x171: {  	[tilespmem:v17+s11+$0x0] =	vst.idx.add.f32.msk $0xffff, v2;
	v17 =	vadd.s32 v3, v18  }
0x172: {  	v18 =	vld [tilespmem:s19+$0xFFFFFF60]  }
0x173: {  	v16 =	vmul.u32 $0xD0, v16  }
0x174: {  	[tilespmem:v15+s11+$0x0] =	vst.idx.add.f32.msk $0xffff, v2  }
0x175: {  	v15 =	vadd.s32 v7, v16;
	v16 =	vld [tilespmem:s18+$0xFFFFFFA0]  }
0x176: {  	[tilespmem:v17+s11+$0x0] =	vst.idx.add.f32.msk $0xffff, v2  }
0x177: {  	v17 =	vmul.u32 $0xD0, v18;
	v18 =	vld [tilespmem:s19+$0xFFFFFE60];
	_ =	sdelay $0x1  }
0x178: {  	v17 =	vadd.s32 v4, v17  }
0x179: {  	[tilespmem:v15+s11+$0x0] =	vst.idx.add.f32.msk $0xffff, v2;
	v15 =	vmul.u32 $0xD0, v16  }
0x17a: {  	v16 =	vld [tilespmem:s18+$0xFFFFFEA0]  }
0x17b: {  	v18 =	vmul.u32 $0xD0, v18;
	v15 =	vadd.s32 v8, v15;
	_ =	sdelay $0x1  }
0x17c: {  	[tilespmem:v17+s11+$0x0] =	vst.idx.add.f32.msk $0xffff, v2;
	v17 =	vadd.s32 v4, v18  }
0x17d: {  	s20 =	simm.s32 $0x1DC0;
	v18 =	vld [tilespmem:s19+$0xFFFFFF70]  }
0x17e: {  	v19 =	vld [tilespmem:s20+$0xFFFFFF40];
	v16 =	vmul.u32 $0xD0, v16  }
0x17f: {  	[tilespmem:v15+s11+$0x0] =	vst.idx.add.f32.msk $0xffff, v2  }
0x180: {  	v15 =	vadd.s32 v8, v16;
	v16 =	vld [tilespmem:s18+$0xFFFFFFB0]  }
0x181: {  	[tilespmem:v17+s11+$0x0] =	vst.idx.add.f32.msk $0xffff, v2  }
0x182: {  	v17 =	vmul.u32 $0xD0, v18;
	v18 =	vld [tilespmem:s19+$0xFFFFFE70];
	_ =	sdelay $0x1  }
0x183: {  	v19 =	vmul.u32 $0xD0, v19;
	v17 =	vadd.s32 v5, v17  }
0x184: {  	[tilespmem:v15+s11+$0x0] =	vst.idx.add.f32.msk $0xffff, v2;
	v15 =	vmul.u32 $0xD0, v16  }
0x185: {  	v19 =	vor.u32 v1, v19;
	v16 =	vld [tilespmem:s18+$0xFFFFFEB0]  }
0x186: {  	v18 =	vmul.u32 $0xD0, v18;
	v15 =	vadd.s32 v9, v15  }
0x187: {  	v20 =	vld [tilespmem:s20+$0xFFFFFE40]  }
0x188: {  	[tilespmem:v17+s11+$0x0] =	vst.idx.add.f32.msk $0xffff, v2;
	v17 =	vadd.s32 v5, v18  }
0x189: {  	v18 =	vld [tilespmem:s19+$0xFFFFFF80]  }
0x18a: {  	[tilespmem:v19+s11+$0x0] =	vst.idx.add.f32.msk $0xffff, v2;
	v16 =	vmul.u32 $0xD0, v16  }
0x18b: {  	[tilespmem:v15+s11+$0x0] =	vst.idx.add.f32.msk $0xffff, v2  }
0x18c: {  	v20 =	vmul.u32 $0xD0, v20;
	v15 =	vadd.s32 v9, v16;
	v16 =	vld [tilespmem:s18+$0xFFFFFFC0]  }
0x18d: {  	[tilespmem:v17+s11+$0x0] =	vst.idx.add.f32.msk $0xffff, v2  }
0x18e: {  	v19 =	vor.u32 v1, v20;
	v17 =	vmul.u32 $0xD0, v18;
	v18 =	vld [tilespmem:s19+$0xFFFFFE80]  }
0x18f: {  	v20 =	vld [tilespmem:s20+$0xFFFFFF50]  }
0x190: {  	v17 =	vadd.s32 v6, v17  }
0x191: {  	[tilespmem:v15+s11+$0x0] =	vst.idx.add.f32.msk $0xffff, v2;
	v15 =	vmul.u32 $0xD0, v16  }
0x192: {  	v16 =	vld [tilespmem:s18+$0xFFFFFEC0]  }
0x193: {  	[tilespmem:v19+s11+$0x0] =	vst.idx.add.f32.msk $0xffff, v2;
	v18 =	vmul.u32 $0xD0, v18;
	v15 =	vadd.s32 v10, v15  }
0x194: {  	v19 =	vmul.u32 $0xD0, v20;
	v20 =	vld [tilespmem:s20+$0xFFFFFE50]  }
0x195: {  	[tilespmem:v17+s11+$0x0] =	vst.idx.add.f32.msk $0xffff, v2;
	v17 =	vadd.s32 v6, v18  }
0x196: {  	v18 =	vld [tilespmem:s19+$0xFFFFFF90]  }
0x197: {  	v19 =	vadd.s32 v3, v19;
	v16 =	vmul.u32 $0xD0, v16  }
0x198: {  	[tilespmem:v15+s11+$0x0] =	vst.idx.add.f32.msk $0xffff, v2  }
0x199: {  	v15 =	vadd.s32 v10, v16;
	v16 =	vld [tilespmem:s18+$0xFFFFFFD0]  }
0x19a: {  	v20 =	vmul.u32 $0xD0, v20;
	[tilespmem:v17+s11+$0x0] =	vst.idx.add.f32.msk $0xffff, v2  }
0x19b: {  	v17 =	vmul.u32 $0xD0, v18;
	v18 =	vld [tilespmem:s19+$0xFFFFFE90]  }
0x19c: {  	[tilespmem:v19+s11+$0x0] =	vst.idx.add.f32.msk $0xffff, v2;
	v19 =	vadd.s32 v3, v20  }
0x19d: {  	v20 =	vld [tilespmem:s20+$0xFFFFFF60];
	v17 =	vadd.s32 v7, v17  }
0x19e: {  	[tilespmem:v15+s11+$0x0] =	vst.idx.add.f32.msk $0xffff, v2;
	v15 =	vmul.u32 $0xD0, v16  }
0x19f: {  	v16 =	vld [tilespmem:s18+$0xFFFFFED0]  }
0x1a0: {  	v18 =	vmul.u32 $0xD0, v18;
	v15 =	vadd.s32 v11, v15  }
0x1a1: {  	[tilespmem:v19+s11+$0x0] =	vst.idx.add.f32.msk $0xffff, v2  }
0x1a2: {  	[tilespmem:v17+s11+$0x0] =	vst.idx.add.f32.msk $0xffff, v2;
	v17 =	vadd.s32 v7, v18  }
0x1a3: {  	v19 =	vmul.u32 $0xD0, v20;
	v18 =	vld [tilespmem:s19+$0xFFFFFFA0]  }
0x1a4: {  	v20 =	vld [tilespmem:s20+$0xFFFFFE60];
	v16 =	vmul.u32 $0xD0, v16  }
0x1a5: {  	v19 =	vadd.s32 v4, v19;
	[tilespmem:v15+s11+$0x0] =	vst.idx.add.f32.msk $0xffff, v2  }
0x1a6: {  	v15 =	vadd.s32 v11, v16;
	v16 =	vld [tilespmem:s18+$0xFFFFFFE0]  }
0x1a7: {  	[tilespmem:v17+s11+$0x0] =	vst.idx.add.f32.msk $0xffff, v2  }
0x1a8: {  	v17 =	vmul.u32 $0xD0, v18;
	v18 =	vld [tilespmem:s19+$0xFFFFFEA0]  }
0x1a9: {  	v20 =	vmul.u32 $0xD0, v20  }
0x1aa: {  	[tilespmem:v19+s11+$0x0] =	vst.idx.add.f32.msk $0xffff, v2;
	v17 =	vadd.s32 v8, v17  }
0x1ab: {  	v19 =	vadd.s32 v4, v20;
	[tilespmem:v15+s11+$0x0] =	vst.idx.add.f32.msk $0xffff, v2;
	v15 =	vmul.u32 $0xD0, v16  }
0x1ac: {  	v16 =	vld [tilespmem:s18+$0xFFFFFEE0]  }
0x1ad: {  	v18 =	vmul.u32 $0xD0, v18;
	v15 =	vadd.s32 v12, v15  }
0x1ae: {  	v20 =	vld [tilespmem:s20+$0xFFFFFF70]  }
0x1af: {  	[tilespmem:v17+s11+$0x0] =	vst.idx.add.f32.msk $0xffff, v2;
	v17 =	vadd.s32 v8, v18  }
0x1b0: {  	[tilespmem:v19+s11+$0x0] =	vst.idx.add.f32.msk $0xffff, v2  }
0x1b1: {  	v18 =	vld [tilespmem:s19+$0xFFFFFFB0];
	v16 =	vmul.u32 $0xD0, v16  }
0x1b2: {  	[tilespmem:v15+s11+$0x0] =	vst.idx.add.f32.msk $0xffff, v2  }
0x1b3: {  	v15 =	vadd.s32 v12, v16;
	v16 =	vld [tilespmem:s18+$0xFFFFFFF0]  }
0x1b4: {  	[tilespmem:v17+s11+$0x0] =	vst.idx.add.f32.msk $0xffff, v2;
	v17 =	vmul.u32 $0xD0, v20  }
0x1b5: {  	v19 =	vld [tilespmem:s20+$0xFFFFFE70]  }
0x1b6: {  	v21 =	vmul.u32 $0xD0, v18;
	v20 =	vadd.s32 v5, v17  }
0x1b7: {  	v18 =	vld [tilespmem:s19+$0xFFFFFEB0]  }
0x1b8: {  	v17 =	vadd.s32 v9, v21;
	[tilespmem:v15+s11+$0x0] =	vst.idx.add.f32.msk $0xffff, v2;
	v16 =	vmul.u32 $0xD0, v16  }
0x1b9: {  	s21 =	simm.s32 $0x4;
	s22 =	simm.s32 $0x1FC0;
	v15 =	vld [tilespmem:s18+$0xFFFFFEF0]  }
.LBB2_7:
0x1ba: {  	v21 =	vld [tilespmem:s22+$0xFFFFFF40];
	v19 =	vmul.u32 $0xD0, v19;
	v16 =	vadd.s32 v13, v16  }
0x1bb: {  	[tilespmem:v20+s11+$0x0] =	vst.idx.add.f32.msk $0xffff, v2  }
0x1bc: {  	v19 =	vadd.s32 v5, v19;
	v20 =	vld [tilespmem:s20+$0xFFFFFF80];
	v18 =	vmul.u32 $0xD0, v18  }
0x1bd: {  	[tilespmem:v17+s11+$0x0] =	vst.idx.add.f32.msk $0xffff, v2  }
0x1be: {  	v17 =	vadd.s32 v9, v18;
	v18 =	vld [tilespmem:s19+$0xFFFFFFC0];
	v15 =	vmul.u32 $0xD0, v15  }
0x1bf: {  	[tilespmem:v16+s11+$0x0] =	vst.idx.add.f32.msk $0xffff, v2  }
0x1c0: {  	s21 =	sadd.s32 $0x2, s21;
	v16 =	vmul.u32 $0xD0, v21;
	v15 =	vadd.s32 v13, v15;
	v21 =	vld [tilespmem:s18+$0x0]  }
0x1c1: {  	p1 =	slt.u32 s21, $0x16;
	v22 =	vld [tilespmem:s22+$0xFFFFFE40]  }
0x1c2: {  	v16 =	vor.u32 v1, v16;
	[tilespmem:v19+s11+$0x0] =	vst.idx.add.f32.msk $0xffff, v2;
	v19 =	vmul.u32 $0xD0, v20  }
0x1c3: {  	v20 =	vld [tilespmem:s20+$0xFFFFFE80]  }
0x1c4: {  	v19 =	vadd.s32 v6, v19;
	[tilespmem:v17+s11+$0x0] =	vst.idx.add.f32.msk $0xffff, v2;
	v17 =	vmul.u32 $0xD0, v18  }
0x1c5: {  	v18 =	vld [tilespmem:s19+$0xFFFFFEC0];
	v21 =	vmul.u32 $0xD0, v21  }
0x1c6: {  	v22 =	vmul.u32 $0xD0, v22;
	v17 =	vadd.s32 v10, v17;
	[tilespmem:v15+s11+$0x0] =	vst.idx.add.f32.msk $0xffff, v2  }
0x1c7: {  	[tilespmem:v16+s11+$0x0] =	vst.idx.add.f32.msk $0xffff, v2;
	v15 =	vadd.s32 v14, v21  }
0x1c8: {  	v16 =	vor.u32 v1, v22;
	v21 =	vld [tilespmem:s22+$0xFFFFFF50];
	v20 =	vmul.u32 $0xD0, v20  }
0x1c9: {  	[tilespmem:v19+s11+$0x0] =	vst.idx.add.f32.msk $0xffff, v2  }
0x1ca: {  	v19 =	vadd.s32 v6, v20;
	v20 =	vld [tilespmem:s20+$0xFFFFFF90];
	v18 =	vmul.u32 $0xD0, v18  }
0x1cb: {  	[tilespmem:v17+s11+$0x0] =	vst.idx.add.f32.msk $0xffff, v2  }
0x1cc: {  	v17 =	vadd.s32 v10, v18;
	[tilespmem:v15+s11+$0x0] =	vst.idx.add.f32.msk $0xff, v2  }
0x1cd: {  	v15 =	vld [tilespmem:s19+$0xFFFFFFD0]  }
0x1ce: {  	[tilespmem:v16+s11+$0x0] =	vst.idx.add.f32.msk $0xffff, v2;
	v16 =	vmul.u32 $0xD0, v21  }
0x1cf: {  	v18 =	vld [tilespmem:s22+$0xFFFFFE50]  }
0x1d0: {  	v16 =	vadd.s32 v3, v16;
	[tilespmem:v19+s11+$0x0] =	vst.idx.add.f32.msk $0xffff, v2;
	v19 =	vmul.u32 $0xD0, v20  }
0x1d1: {  	v20 =	vld [tilespmem:s20+$0xFFFFFE90]  }
0x1d2: {  	v19 =	vadd.s32 v7, v19;
	[tilespmem:v17+s11+$0x0] =	vst.idx.add.f32.msk $0xffff, v2;
	v15 =	vmul.u32 $0xD0, v15  }
0x1d3: {  	v17 =	vld [tilespmem:s19+$0xFFFFFED0]  }
0x1d4: {  	v18 =	vmul.u32 $0xD0, v18;
	v15 =	vadd.s32 v11, v15;
	v21 =	vld [tilespmem:s18+$0xFFFFFF00];
	s18 =	smov.u32 s19;
	s19 =	smov.u32 s20;
	s20 =	smov.u32 s22  }
0x1d5: {  	[tilespmem:v16+s11+$0x0] =	vst.idx.add.f32.msk $0xffff, v2  }
0x1d6: {  	v16 =	vadd.s32 v3, v18;
	v18 =	vld [tilespmem:s22+$0xFFFFFF60];
	v20 =	vmul.u32 $0xD0, v20  }
0x1d7: {  	[tilespmem:v19+s11+$0x0] =	vst.idx.add.f32.msk $0xffff, v2  }
0x1d8: {  	v19 =	vadd.s32 v7, v20;
	v20 =	vld [tilespmem:s19+$0xFFFFFFA0];
	v17 =	vmul.u32 $0xD0, v17  }
0x1d9: {  	[tilespmem:v15+s11+$0x0] =	vst.idx.add.f32.msk $0xffff, v2;
	v15 =	vmul.u32 $0xD0, v21  }
0x1da: {  	v17 =	vadd.s32 v11, v17;
	v21 =	vld [tilespmem:s18+$0xFFFFFFE0]  }
0x1db: {  	[tilespmem:v16+s11+$0x0] =	vst.idx.add.f32.msk $0xffff, v2;
	v16 =	vmul.u32 $0xD0, v18;
	v15 =	vadd.s32 v14, v15  }
0x1dc: {  	v18 =	vld [tilespmem:s22+$0xFFFFFE60]  }
0x1dd: {  	v16 =	vadd.s32 v4, v16;
	[tilespmem:v19+s11+$0x0] =	vst.idx.add.f32.msk $0xffff, v2;
	v19 =	vmul.u32 $0xD0, v20  }
0x1de: {  	v20 =	vld [tilespmem:s19+$0xFFFFFEA0]  }
0x1df: {  	v19 =	vadd.s32 v8, v19;
	[tilespmem:v17+s11+$0x0] =	vst.idx.add.f32.msk $0xffff, v2;
	v17 =	vmul.u32 $0xD0, v21  }
0x1e0: {  	v21 =	vld [tilespmem:s18+$0xFFFFFEE0]  }
0x1e1: {  	v18 =	vmul.u32 $0xD0, v18;
	v17 =	vadd.s32 v12, v17;
	[tilespmem:v15+s11+$0x0] =	vst.idx.add.f32.msk $0xff, v2  }
0x1e2: {  	[tilespmem:v16+s11+$0x0] =	vst.idx.add.f32.msk $0xffff, v2  }
0x1e3: {  	v15 =	vadd.s32 v4, v18;
	v16 =	vld [tilespmem:s22+$0xFFFFFF70];
	v18 =	vmul.u32 $0xD0, v20  }
0x1e4: {  	[tilespmem:v19+s11+$0x0] =	vst.idx.add.f32.msk $0xffff, v2  }
0x1e5: {  	v18 =	vadd.s32 v8, v18;
	v22 =	vld [tilespmem:s19+$0xFFFFFFB0];
	v19 =	vmul.u32 $0xD0, v21  }
0x1e6: {  	[tilespmem:v17+s11+$0x0] =	vst.idx.add.f32.msk $0xffff, v2  }
0x1e7: {  	v21 =	vadd.s32 v12, v19;
	v23 =	vld [tilespmem:s18+$0xFFFFFFF0]  }
0x1e8: {  	[tilespmem:v15+s11+$0x0] =	vst.idx.add.f32.msk $0xffff, v2;
	v15 =	vmul.u32 $0xD0, v16  }
.Ltmp4:
0x1e9: {  	v19 =	vld [tilespmem:s22+$0xFFFFFE70];
	(pc) =	sbr.rel @p1 .LBB2_7-.Ltmp4, $4  }
0x1ea: {  	v20 =	vadd.s32 v5, v15;
	[tilespmem:v18+s11+$0x0] =	vst.idx.add.f32.msk $0xffff, v2;
	v15 =	vmul.u32 $0xD0, v22  }
0x1eb: {  	v18 =	vld [tilespmem:s19+$0xFFFFFEB0]  }
0x1ec: {  	v17 =	vadd.s32 v9, v15;
	[tilespmem:v21+s11+$0x0] =	vst.idx.add.f32.msk $0xffff, v2;
	v16 =	vmul.u32 $0xD0, v23  }
0x1ed: {  	s22 =	sadd.s32 $0x200, s22;
	v15 =	vld [tilespmem:s18+$0xFFFFFEF0]  }
0x1ee: {  	v19 =	vmul.u32 $0xD0, v19;
	_ =	sdelay $0x1  }
0x1ef: {  	v19 =	vadd.s32 v5, v19;
	_ =	sdelay $0x2  }
0x1f0: {  	[tilespmem:v20+s11+$0x0] =	vst.idx.add.f32.msk $0xffff, v2  }
0x1f1: {  	v20 =	vld [tilespmem:s20+$0xFFFFFF80]  }
0x1f2: {  	[tilespmem:v19+s11+$0x0] =	vst.idx.add.f32.msk $0xffff, v2  }
0x1f3: {  	v19 =	vld [tilespmem:s20+$0xFFFFFE80];
	_ =	sdelay $0x2  }
0x1f4: {  	v20 =	vmul.u32 $0xD0, v20;
	_ =	sdelay $0x1  }
0x1f5: {  	v20 =	vadd.s32 v6, v20;
	v19 =	vmul.u32 $0xD0, v19;
	_ =	sdelay $0x1  }
0x1f6: {  	v19 =	vadd.s32 v6, v19;
	_ =	sdelay $0x2  }
0x1f7: {  	[tilespmem:v20+s11+$0x0] =	vst.idx.add.f32.msk $0xffff, v2  }
0x1f8: {  	v20 =	vld [tilespmem:s20+$0xFFFFFF90]  }
0x1f9: {  	[tilespmem:v19+s11+$0x0] =	vst.idx.add.f32.msk $0xffff, v2  }
0x1fa: {  	v19 =	vld [tilespmem:s20+$0xFFFFFE90];
	_ =	sdelay $0x2  }
0x1fb: {  	v20 =	vmul.u32 $0xD0, v20;
	_ =	sdelay $0x1  }
0x1fc: {  	v20 =	vadd.s32 v7, v20;
	v19 =	vmul.u32 $0xD0, v19;
	_ =	sdelay $0x1  }
0x1fd: {  	v19 =	vadd.s32 v7, v19;
	_ =	sdelay $0x2  }
0x1fe: {  	[tilespmem:v20+s11+$0x0] =	vst.idx.add.f32.msk $0xffff, v2  }
0x1ff: {  	v20 =	vld [tilespmem:s20+$0xFFFFFFA0]  }
0x200: {  	[tilespmem:v19+s11+$0x0] =	vst.idx.add.f32.msk $0xffff, v2  }
0x201: {  	v19 =	vld [tilespmem:s20+$0xFFFFFEA0];
	_ =	sdelay $0x2  }
0x202: {  	v20 =	vmul.u32 $0xD0, v20;
	_ =	sdelay $0x1  }
0x203: {  	v20 =	vadd.s32 v8, v20;
	v19 =	vmul.u32 $0xD0, v19;
	_ =	sdelay $0x1  }
0x204: {  	v19 =	vadd.s32 v8, v19;
	_ =	sdelay $0x2  }
0x205: {  	[tilespmem:v20+s11+$0x0] =	vst.idx.add.f32.msk $0xffff, v2  }
0x206: {  	v20 =	vld [tilespmem:s20+$0xFFFFFFB0]  }
0x207: {  	[tilespmem:v19+s11+$0x0] =	vst.idx.add.f32.msk $0xffff, v2  }
0x208: {  	v19 =	vld [tilespmem:s20+$0xFFFFFEB0]  }
0x209: {  	v18 =	vmul.u32 $0xD0, v18;
	_ =	sdelay $0x1  }
0x20a: {  	v18 =	vadd.s32 v9, v18;
	v20 =	vmul.u32 $0xD0, v20;
	_ =	sdelay $0x1  }
0x20b: {  	v20 =	vadd.s32 v9, v20;
	v19 =	vmul.u32 $0xD0, v19  }
0x20c: {  	[tilespmem:v17+s11+$0x0] =	vst.idx.add.f32.msk $0xffff, v2  }
0x20d: {  	v17 =	vld [tilespmem:s19+$0xFFFFFFC0];
	v19 =	vadd.s32 v9, v19  }
0x20e: {  	[tilespmem:v18+s11+$0x0] =	vst.idx.add.f32.msk $0xffff, v2  }
0x20f: {  	v18 =	vld [tilespmem:s19+$0xFFFFFEC0]  }
0x210: {  	[tilespmem:v20+s11+$0x0] =	vst.idx.add.f32.msk $0xffff, v2  }
0x211: {  	v20 =	vld [tilespmem:s20+$0xFFFFFFC0]  }
0x212: {  	v17 =	vmul.u32 $0xD0, v17;
	[tilespmem:v19+s11+$0x0] =	vst.idx.add.f32.msk $0xffff, v2  }
0x213: {  	v19 =	vld [tilespmem:s20+$0xFFFFFEC0]  }
0x214: {  	v17 =	vadd.s32 v10, v17;
	v18 =	vmul.u32 $0xD0, v18;
	_ =	sdelay $0x1  }
0x215: {  	v18 =	vadd.s32 v10, v18;
	v20 =	vmul.u32 $0xD0, v20;
	_ =	sdelay $0x1  }
0x216: {  	v20 =	vadd.s32 v10, v20;
	v19 =	vmul.u32 $0xD0, v19  }
0x217: {  	[tilespmem:v17+s11+$0x0] =	vst.idx.add.f32.msk $0xffff, v2  }
0x218: {  	v17 =	vld [tilespmem:s19+$0xFFFFFFD0];
	v19 =	vadd.s32 v10, v19  }
0x219: {  	[tilespmem:v18+s11+$0x0] =	vst.idx.add.f32.msk $0xffff, v2  }
0x21a: {  	v18 =	vld [tilespmem:s19+$0xFFFFFED0]  }
0x21b: {  	[tilespmem:v20+s11+$0x0] =	vst.idx.add.f32.msk $0xffff, v2  }
0x21c: {  	v20 =	vld [tilespmem:s20+$0xFFFFFFD0]  }
0x21d: {  	v17 =	vmul.u32 $0xD0, v17;
	[tilespmem:v19+s11+$0x0] =	vst.idx.add.f32.msk $0xffff, v2  }
0x21e: {  	v19 =	vld [tilespmem:s20+$0xFFFFFED0]  }
0x21f: {  	v17 =	vadd.s32 v11, v17;
	v18 =	vmul.u32 $0xD0, v18;
	_ =	sdelay $0x1  }
0x220: {  	v18 =	vadd.s32 v11, v18;
	v20 =	vmul.u32 $0xD0, v20;
	_ =	sdelay $0x1  }
0x221: {  	v20 =	vadd.s32 v11, v20;
	v19 =	vmul.u32 $0xD0, v19  }
0x222: {  	[tilespmem:v17+s11+$0x0] =	vst.idx.add.f32.msk $0xffff, v2  }
0x223: {  	v17 =	vld [tilespmem:s19+$0xFFFFFFE0];
	v19 =	vadd.s32 v11, v19  }
0x224: {  	[tilespmem:v18+s11+$0x0] =	vst.idx.add.f32.msk $0xffff, v2  }
0x225: {  	v18 =	vld [tilespmem:s19+$0xFFFFFEE0]  }
0x226: {  	[tilespmem:v20+s11+$0x0] =	vst.idx.add.f32.msk $0xffff, v2  }
0x227: {  	v20 =	vld [tilespmem:s20+$0xFFFFFFE0]  }
0x228: {  	v17 =	vmul.u32 $0xD0, v17;
	[tilespmem:v19+s11+$0x0] =	vst.idx.add.f32.msk $0xffff, v2  }
0x229: {  	v19 =	vld [tilespmem:s20+$0xFFFFFEE0]  }
0x22a: {  	v17 =	vadd.s32 v12, v17;
	v18 =	vmul.u32 $0xD0, v18;
	_ =	sdelay $0x1  }
0x22b: {  	v18 =	vadd.s32 v12, v18;
	v20 =	vmul.u32 $0xD0, v20;
	_ =	sdelay $0x1  }
0x22c: {  	v20 =	vadd.s32 v12, v20;
	v19 =	vmul.u32 $0xD0, v19  }
0x22d: {  	[tilespmem:v17+s11+$0x0] =	vst.idx.add.f32.msk $0xffff, v2  }
0x22e: {  	v17 =	vld [tilespmem:s19+$0xFFFFFFF0];
	v19 =	vadd.s32 v12, v19  }
0x22f: {  	[tilespmem:v18+s11+$0x0] =	vst.idx.add.f32.msk $0xffff, v2  }
0x230: {  	v18 =	vld [tilespmem:s19+$0xFFFFFEF0]  }
0x231: {  	v16 =	vadd.s32 v13, v16;
	v15 =	vmul.u32 $0xD0, v15;
	[tilespmem:v20+s11+$0x0] =	vst.idx.add.f32.msk $0xffff, v2  }
0x232: {  	v20 =	vld [tilespmem:s20+$0xFFFFFFF0]  }
0x233: {  	v15 =	vadd.s32 v13, v15;
	v17 =	vmul.u32 $0xD0, v17;
	[tilespmem:v19+s11+$0x0] =	vst.idx.add.f32.msk $0xffff, v2  }
0x234: {  	v19 =	vld [tilespmem:s20+$0xFFFFFEF0]  }
0x235: {  	v17 =	vadd.s32 v13, v17;
	v18 =	vmul.u32 $0xD0, v18  }
0x236: {  	[tilespmem:v16+s11+$0x0] =	vst.idx.add.f32.msk $0xffff, v2  }
0x237: {  	v16 =	vld [tilespmem:s18+$0x0];
	v18 =	vadd.s32 v13, v18;
	v20 =	vmul.u32 $0xD0, v20  }
0x238: {  	[tilespmem:v15+s11+$0x0] =	vst.idx.add.f32.msk $0xffff, v2  }
0x239: {  	v15 =	vld [tilespmem:s18+$0xFFFFFF00];
	v20 =	vadd.s32 v13, v20;
	v19 =	vmul.u32 $0xD0, v19  }
0x23a: {  	[tilespmem:v17+s11+$0x0] =	vst.idx.add.f32.msk $0xffff, v2  }
0x23b: {  	v17 =	vld [tilespmem:s19+$0x0];
	v19 =	vadd.s32 v13, v19  }
0x23c: {  	[tilespmem:v18+s11+$0x0] =	vst.idx.add.f32.msk $0xffff, v2  }
0x23d: {  	v18 =	vld [tilespmem:s19+$0xFFFFFF00]  }
0x23e: {  	[tilespmem:v20+s11+$0x0] =	vst.idx.add.f32.msk $0xffff, v2  }
0x23f: {  	v20 =	vld [tilespmem:s20+$0x0]  }
0x240: {  	[tilespmem:v19+s11+$0x0] =	vst.idx.add.f32.msk $0xffff, v2  }
0x241: {  	v16 =	vmul.u32 $0xD0, v16;
	v19 =	vld [tilespmem:s20+$0xFFFFFF00]  }
0x242: {  	v15 =	vmul.u32 $0xD0, v15  }
0x243: {  	v16 =	vadd.s32 v14, v16;
	v17 =	vmul.u32 $0xD0, v17  }
0x244: {  	v15 =	vadd.s32 v14, v15;
	v18 =	vmul.u32 $0xD0, v18  }
0x245: {  	v17 =	vadd.s32 v14, v17;
	v20 =	vmul.u32 $0xD0, v20  }
0x246: {  	v18 =	vadd.s32 v14, v18;
	v19 =	vmul.u32 $0xD0, v19  }
0x247: {  	v20 =	vadd.s32 v14, v20  }
0x248: {  	[tilespmem:v16+s11+$0x0] =	vst.idx.add.f32.msk $0xff, v2;
	v63 =	vadd.s32 v14, v19  }
.Ltmp5:
0x249: {  	[tilespmem:v15+s11+$0x0] =	vst.idx.add.f32.msk $0xff, v2;
	(pc) =	sbr.rel @p0 .LBB2_10-.Ltmp5, $4  }
0x24a: {  	[tilespmem:v17+s11+$0x0] =	vst.idx.add.f32.msk $0xff, v2  }
0x24b: {  	[tilespmem:v18+s11+$0x0] =	vst.idx.add.f32.msk $0xff, v2  }
0x24c: {  	[tilespmem:v20+s11+$0x0] =	vst.idx.add.f32.msk $0xff, v2  }
0x24d: {  	[tilespmem:v63+s11+$0x0] =	vst.idx.add.f32.msk $0xff, v2  }
0x24e: {  	s18 =	sadd.s32 s17, s7  }
0x24f: {  	s18 =	smul.u32 $0x3000, s18  }
.Ltmp6:
0x250: {  	_ = 	snop;
	(pc) =	sbr.rel .LBB2_4-.Ltmp6, $4  }
0x251: {  	s18 =	sadd.s32 $0x1800, s18  }
0x252: {  	s18 =	sshrl.u32 s18, $0x3  }
0x253: {  	s17 =	sadd.s32 $0x1, s17;
	s18 =	sadd.s32 s3, s18  }
0x254: {  	[tilespmem:s10], [sflag:$0x2] =	stream.linear.gather [hbm4b:s18+s2], $0x1800, $0x38;
	[tilespmem:$0x1D000] =	vst v63  }
.LBB2_11:
0x255: {  	_ =	sfence.sel $0x180000  }
0x256: {  	[bflag:$0x0] =	sbarrier.arrive $0xFFFF  }
0x257: {  	p0 =	sne.s32 s0, $0x0;
	_ =	strace $0x9000004A  }
0x258: {  	s0 =	sadd.s32 @!p0 $0x100000, s1;
	[bflag:$0x2] =	sbarrier.arrive $0xFFFF  }
0x259: {  	[sflag:s0] =	ssyncadd.tile.s32 @!p0 $0x1;
	_ =	shalt  }
.Lfunc_end2:
_tile_overlayer_lowered:
.L_overlay_start_2:
0x25a: {  	(tag) =	ssettag $0x2  }
0x25b: {  	s0 =	rddreg [dreg:$0x0];
	s2 =	stileid.u32  }
0x25c: {  	s1 =	rddreg [dreg:$0x1];
	p0 =	sne.s32 s2, $0x0  }
0x25d: {  	s3 =	rddreg [dreg:$0x2];
	[bflag:$0x3] =	sbarrier.arrive $0xFFFF;
	s2 =	simm.s32 @!p0 $0x1C03  }
0x25e: {  	[timem:s3], [sflag:s2] =	dma.local @!p0 [hbm:s0], s1  }
0x25f: {  	s0 =	simm.s32 @!p0 $0x3  }
0x260: {  	_ =	swait.ge @!p0 [sflag:s0], s1  }
0x261: {  	s1 =	ssub.s32 @!p0 $0x0, s1;
	[sflag:s0] =	ssyncset.done @!p0 $0x0  }
0x262: {  	[sflag:s0] =	ssyncadd.s32 @!p0 s1  }
0x263: {  	[bflag:$0x3] =	sbarrier.arrive $0xFFFF  }
0x264: {  	_ =	shalt  }

// kernel: sparse-core-data-format-call.cloned.1.call-start
scs
called_computation_lowered:
.L_overlay_start_0:
0x0: {  	s1 =	sld [smem:$0x3FD9]  }
0x1: {  	s2 =	sld [smem:$0x3FFE];
	_ =	sdelay $0x1  }
0x2: {  	s3 =	srdreg.scid  }
0x3: {  	s0 =	sand.u32 $0x1, s3  }
0x4: {  	s17 =	sshll.u32 s0, $0xA;
	s1 =	sadd.s32 s2, s1  }
0x5: {  	s1 =	sadd.s32 s1, s17  }
0x6: {  	[smem:$0x3FC5] =	sst s1  }
0x7: {  	_ = 	snop  }
0x8: {  	(tm) =	ssettm $0x1  }
0x9: {  	s18 =	sld [smem:$0x3FFB];
	_ =	sdelay $0x3  }
0xa: {  	_ =	strace s18  }
0xb: {  	s1 =	sld [smem:$0x3FFC];
	_ =	sdelay $0x3  }
0xc: {  	_ =	strace s1  }
0xd: {  	s1 =	sld [smem:$0x3FFD];
	_ =	sdelay $0x3  }
0xe: {  	_ =	strace s1  }
0xf: {  	_ =	strace $0x8FFFFFFF  }
0x10: {  	s19 =	sld [smem:$0x3FDB];
	_ =	sdelay $0x1  }
0x11: {  	s20 =	simm.s32 $_scs_section_size  }
0x12: {  	s4 =	simm.s32 $_size__tile_overlayer_lowered;
	s5 =	simm.s32 $_tile_overlayer_lowered  }
0x13: {  	s23 =	simm.s32 $0x1BFF;
	s22 =	sshll.u32 s5, $0x1;
	s1 =	sadd.s32 s20, s19  }
0x14: {  	s6 =	simm.s32 $0x0;
	s21 =	sshll.u32 s4, $0x1;
	s4 =	sadd.s32 s22, s1  }
0x15: {  	[timem:s6], [sflag:s23] =	dma.local [hbm:s4], s21  }
0x16: {  	_ =	swait.ge [sflag:s23], s21  }
0x17: {  	s2 =	ssub.s32 $0x0, s21;
	[sflag:s23] =	ssyncset.done $0x0  }
0x18: {  	[sflag:s23] =	ssyncadd.s32 s2;
	_ =	sdelay $0x1  }
0x19: {  	s24 =	simm.s32 $0x1B8B  }
0x1a: {  	_ =	swait.ge [sflag:s24], $0x1  }
0x1b: {  	[sflag:s24] =	ssyncset.done $0x0  }
0x1c: {  	s26 =	simm.s32 $0x1B8E;
	s25 =	sld [smem:$0x3FFE];
	[sflag:s24] =	ssyncadd.s32 $0xFFFFFFFF  }
0x1d: {  	s27 =	simm.s32 $execute0_lowered;
	[smem:$0x3FD2] =	sst s26  }
0x1e: {  	s4 =	sshll.u32 s27, $0x1;
	_ =	strace $0x80000046;
	[dreg:$0x1] =	wrdreg $0xFFFFFFFF  }
0x1f: {  	s28 =	simm.s32 $_size_execute0_lowered;
	s1 =	sadd.s32 s1, s4;
	[dreg:$0x0] =	wrdreg $0x0  }
0x20: {  	s4 =	sshll.u32 s28, $0x1;
	[dreg:$0x2] =	wrdreg s1  }
0x21: {  	[dreg:$0x3] =	wrdreg s4  }
0x22: {  	[dreg:$0x4] =	wrdreg $0xC0  }
0x23: {  	_ =	task [dreg:s6], $0x5FFFF  }
0x24: {  	[dreg:$0x1] =	wrdreg $0xFFFFFFFF  }
0x25: {  	[dreg:$0x0] =	wrdreg $0x60  }
0x26: {  	[dreg:$0x2] =	wrdreg s25  }
0x27: {  	[dreg:$0x3] =	wrdreg $0x9  }
0x28: {  	_ =	task.clear_ibuf [dreg:s6], $0x4FFFF;
	_ =	strace $0x90000046  }
0x29: {  	s29 =	simm.s32 $0x9;
	_ =	strace $0x80000048  }
0x2a: {  	_ =	swait.ge [sflag:s29], $0x1  }
0x2b: {  	[sflag:s29] =	ssyncadd.s32 $0xFFFFFFFF  }
0x2c: {  	_ =	strace $0x90000048  }
0x2d: {  	_ =	sfence  }
0x2e: {  	s30 =	sld [smem:$0x0];
	_ =	sdelay $0x2  }
0x2f: {  	s31 =	sshll.u32 s3, $0xD;
	s3 =	sshrl.u32 s3, $0x2  }
0x30: {  	s2 =	sand.u32 $0x4000, s31;
	s1 =	sadd.s32 s3, s30  }
0x31: {  	s0 =	sor.u32 s2, s0;
	s1 =	sshll.u32 s1, $0x11  }
0x32: {  	s0 =	sor.u32 s1, s0  }
0x33: {  	s0 =	sadd.s32 $0x8F2B, s0  }
0x34: {  	[sflag:s0] =	ssyncadd.remote.s32 $0x1  }
0x35: {  	_ =	sfence.sel $0xFFFF  }
0x36: {  	[dreg:$0x0] =	wrdreg $0xFFFFFFFF;
	(pc) =	sbr.abs _section_cstart, $3  }
0x37: {  	[dreg:$0x1] =	wrdreg $0xFFFFFFFF  }
0x38: {  	_ =	task.clear_ibuf [dreg:s6], $0x2FFFF;
	_ =	strace $0x9FFFFFFF  }
0x39: {  	(tm) =	ssettm $0x7FFFFFFF  }
tec
execute0_lowered:
.L_overlay_start_1:
0x0: {  	(tag) =	ssettag $0x1  }
0x1: {  	s0 =	srdreg.scid  }
0x2: {  	s1 =	sshll.u32 s0, $0x4  }
0x3: {  	s4 =	rddreg [dreg:$0x0];
	s0 =	stileid.u32;
	s1 =	sand.u32 $0x10, s1  }
0x4: {  	s7 =	simm.s32 $0x1;
	s8 =	simm.s32 $0x2;
	s1 =	sor.u32 s0, s1  }
0x5: {  	s9 =	simm.s32 $0x0;
	s12 =	simm.s32 $0x0;
	s2 =	sshll.u32 s1, $0x3  }
0x6: {  	s11 =	simm.s32 $0x0;
	s3 =	sadd.s32 $0xC00, s4;
	s6 =	ssub.s32 $0x1200, s2  }
.Ltmp0:
0x7: {  	s4 =	sadd.s32 $0x120C00, s4;
	s5 =	sand.u32 $0xF8, s6;
	(pc) =	sbr.rel .LBB1_1-.Ltmp0, $4  }
0x8: {  	s1 =	rddreg [dreg:$0x1];
	_ =	strace $0x80000047;
	p0 =	sne.s32 s5, $0x0  }
0x9: {  	s6 =	sshrl.u32 s6, $0x8;
	s5 =	simm.s32 $0x1;
	s7 =	simm.s32 @!p0 $0x0  }
0xa: {  	s10 =	smov.u32 s2;
	[sflag:s5] =	ssyncpa.u1 $0x0;
	s6 =	sadd.s32 s7, s6  }
0xb: {  	[sflag:s8] =	ssyncpa.u1 $0x0;
	s8 =	simm.s32 $0x0;
	s7 =	sadd.s32 $0x1, s6  }
.LBB1_9:
0xc: {  	s14 =	sadd.s32 $0x100, s10  }
0xd: {  	p1 =	sgt.s32 s14, $0x11FF  }
0xe: {  	s14 =	smov.u32 @p1 s2;
	p1 =	sne.s32 s11, s7  }
.Ltmp1:
0xf: {  	p0 =	slt.u32 s11, $0x2;
	(pc) =	sbr.rel @!p1 .LBB1_10-.Ltmp1, $4  }
0x10: {  	s13 =	simm.s32 @!p0 $0x2  }
0x11: {  	s15 =	sadd.s32 $0x1, s11;
	_ =	swait.ge @!p0 [sflag:s13], $0x4000  }
0x12: {  	s12 =	smov.u32 s10;
	s9 =	sadd.s32 $0x4000, s9;
	[sflag:s13] =	ssyncset.done @!p0 $0x0  }
0x13: {  	s11 =	smov.u32 s15;
	s10 =	smov.u32 s14;
	[sflag:s13] =	ssyncadd.s32 @!p0 $0xFFFFC000  }
.LBB1_1:
0x14: {  	p0 =	sge.u32 s11, s6  }
0x15: {  	s13 =	sxor.u32 @!p0 $0xFFFFFFFF, s11  }
0x16: {  	s31 =	sadd.s32 $0xFFFFFFFF, s11;
	s14 =	sshll.u32 @!p0 s10, $0x8;
	s13 =	sshll.u32 @!p0 s13, $0xE  }
0x17: {  	s15 =	simm.s32 @!p0 $0x0;
	s14 =	sadd.s32 @!p0 s3, s14;
	s13 =	sand.u32 @!p0 $0x4000, s13  }
0x18: {  	[tilespmem:s13], [sflag:$0x1] =	stream.linear.gather @!p0 [hbm4b:s14+s15], $0x4000, $0x38;
	[tilespmem:$0x10000] =	vst v63  }
0x19: {  	p0 =	sge.u32 s31, s6  }
.Ltmp2:
0x1a: {  	_ = 	snop;
	(pc) =	sbr.rel @p0 .LBB1_9-.Ltmp2, $1  }
0x1b: {  	_ =	sdelay $0x3  }
0x1c: {  	s13 =	sshll.u32 s9, $0x2;
	_ =	swait.ge [sflag:s5], $0x4000;
	s14 =	sshll.u32 s11, $0xE  }
0x1d: {  	s16 =	simm.s32 $0x0;
	s17 =	simm.s32 $0x0;
	s15 =	sand.u32 $0x10000, s13  }
0x1e: {  	[sflag:s5] =	ssyncset.done $0x0;
	s31 =	sand.u32 $0x4000, s14;
	s14 =	sshrl.u32 s15, $0x2  }
0x1f: {  	[sflag:s5] =	ssyncadd.s32 $0xFFFFC000;
	s13 =	sor.u32 $0x8000, s31;
	s15 =	sor.u32 $0x8000, s14  }
.LBB1_3:
0x20: {  	s18 =	sshra.s32 s16, $0x2  }
0x21: {  	v0 =	vmov s18;
	_ =	sdelay $0x3  }
0x22: {  	p1 =	por $0x1, $0x1;
	s18 =	simm.s32 $0x0  }
.LBB1_4:
0x23: {  	_ = 	snop  }
0x24: {  	s19 =	sshll.u32 s18, $0xA  }
0x25: {  	s19 =	sand.u32 $0x3FFFFC00, s19  }
0x26: {  	s19 =	sadd.s32 s19, s14  }
0x27: {  	v5 =	vld.idx.msk [tilespmem:v0+s19+$0x70 ss:$0x1], $0xffff  }
0x28: {  	v6 =	vld.idx.msk [tilespmem:v0+s19+$0x10 ss:$0x1], $0xffff  }
0x29: {  	v7 =	vld.idx.msk [tilespmem:v0+s19+$0x20 ss:$0x1], $0xffff  }
0x2a: {  	s31 =	sshll.u32 s18, $0x7;
	v1 =	vld.idx.msk [tilespmem:v0+s19+$0x30 ss:$0x1], $0xffff  }
0x2b: {  	s18 =	sand.u32 $0x3FFFFF80, s31;
	v2 =	vld.idx.msk [tilespmem:v0+s19+$0x40 ss:$0x1], $0xffff  }
0x2c: {  	s18 =	sadd.s32 s18, s15;
	v3 =	vld.idx.msk [tilespmem:v0+s19+$0x50 ss:$0x1], $0xffff  }
0x2d: {  	v4 =	vld.idx.msk [tilespmem:v0+s19+$0x60 ss:$0x1], $0xffff;
	[tilespmem:v0+s18+$0x70 ss:$0x1] =	vst.idx.msk $0xffff, v5  }
0x2e: {  	v5 =	vld.idx.msk [tilespmem:v0+s19+$0x0 ss:$0x1], $0xffff;
	[tilespmem:v0+s18+$0x10 ss:$0x1] =	vst.idx.msk $0xffff, v6;
	s19 =	sadd.s32 $0x80, s19  }
0x2f: {  	p0 =	por p1, p1;
	s20 =	simm.s32 $0x6;
	[tilespmem:v0+s18+$0x20 ss:$0x1] =	vst.idx.msk $0xffff, v7;
	v6 =	vld.idx.msk [tilespmem:v0+s19+$0x70 ss:$0x1], $0xffff  }
.LBB1_5:
0x30: {  	p1 =	sne.s32 s20, $0x1;
	v7 =	vld.idx.msk [tilespmem:v0+s19+$0x10 ss:$0x1], $0xffff;
	[tilespmem:v0+s18+$0x30 ss:$0x1] =	vst.idx.msk $0xffff, v1  }
0x31: {  	v8 =	vld.idx.msk [tilespmem:v0+s19+$0x20 ss:$0x1], $0xffff;
	[tilespmem:v0+s18+$0x40 ss:$0x1] =	vst.idx.msk $0xffff, v2  }
0x32: {  	v1 =	vld.idx.msk [tilespmem:v0+s19+$0x30 ss:$0x1], $0xffff;
	[tilespmem:v0+s18+$0x50 ss:$0x1] =	vst.idx.msk $0xffff, v3  }
.Ltmp3:
0x33: {  	v2 =	vld.idx.msk [tilespmem:v0+s19+$0x40 ss:$0x1], $0xffff;
	[tilespmem:v0+s18+$0x60 ss:$0x1] =	vst.idx.msk $0xffff, v4;
	(pc) =	sbr.rel @p1 .LBB1_5-.Ltmp3, $4  }
0x34: {  	v3 =	vld.idx.msk [tilespmem:v0+s19+$0x50 ss:$0x1], $0xffff;
	[tilespmem:v0+s18+$0x0 ss:$0x1] =	vst.idx.msk $0xffff, v5;
	s18 =	sadd.s32 $0x100, s18  }
0x35: {  	v4 =	vld.idx.msk [tilespmem:v0+s19+$0x60 ss:$0x1], $0xffff;
	[tilespmem:v0+s18+$0x70 ss:$0x1] =	vst.idx.msk $0xffff, v6  }
0x36: {  	v5 =	vld.idx.msk [tilespmem:v0+s19+$0x0 ss:$0x1], $0xffff;
	[tilespmem:v0+s18+$0x10 ss:$0x1] =	vst.idx.msk $0xffff, v7;
	s19 =	sadd.s32 $0x80, s19  }
0x37: {  	s20 =	sadd.s32 $0xFFFFFFFF, s20;
	v6 =	vld.idx.msk [tilespmem:v0+s19+$0x70 ss:$0x1], $0xffff;
	[tilespmem:v0+s18+$0x20 ss:$0x1] =	vst.idx.msk $0xffff, v8  }
0x38: {  	_ =	sdelay $0x3  }
0x39: {  	[tilespmem:v0+s18+$0x30 ss:$0x1] =	vst.idx.msk $0xffff, v1  }
0x3a: {  	v1 =	vld.idx.msk [tilespmem:v0+s19+$0x10 ss:$0x1], $0xffff;
	[tilespmem:v0+s18+$0x40 ss:$0x1] =	vst.idx.msk $0xffff, v2  }
0x3b: {  	v2 =	vld.idx.msk [tilespmem:v0+s19+$0x20 ss:$0x1], $0xffff;
	[tilespmem:v0+s18+$0x50 ss:$0x1] =	vst.idx.msk $0xffff, v3  }
0x3c: {  	v61 =	vld.idx.msk [tilespmem:v0+s19+$0x40 ss:$0x1], $0xffff;
	[tilespmem:v0+s18+$0x60 ss:$0x1] =	vst.idx.msk $0xffff, v4  }
0x3d: {  	s31 =	sadd.s32 $0x100, s18;
	v62 =	vld.idx.msk [tilespmem:v0+s19+$0x50 ss:$0x1], $0xffff;
	[tilespmem:v0+s18+$0x0 ss:$0x1] =	vst.idx.msk $0xffff, v5  }
0x3e: {  	v63 =	vld.idx.msk [tilespmem:v0+s19+$0x60 ss:$0x1], $0xffff;
	[tilespmem:v0+s31+$0x70 ss:$0x1] =	vst.idx.msk $0xffff, v6  }
0x3f: {  	v3 =	vld.idx.msk [tilespmem:v0+s19+$0x30 ss:$0x1], $0xffff;
	[tilespmem:v0+s31+$0x10 ss:$0x1] =	vst.idx.msk $0xffff, v1  }
0x40: {  	v1 =	vld.idx.msk [tilespmem:v0+s19+$0x0 ss:$0x1], $0xffff;
	[tilespmem:v0+s31+$0x20 ss:$0x1] =	vst.idx.msk $0xffff, v2  }
.Ltmp4:
0x41: {  	[tilespmem:v0+s31+$0x40 ss:$0x1] =	vst.idx.msk $0xffff, v61;
	(pc) =	sbr.rel @p0 .LBB1_4-.Ltmp4, $4  }
0x42: {  	[tilespmem:v0+s31+$0x50 ss:$0x1] =	vst.idx.msk $0xffff, v62  }
0x43: {  	[tilespmem:v0+s31+$0x60 ss:$0x1] =	vst.idx.msk $0xffff, v63  }
0x44: {  	[tilespmem:v0+s31+$0x30 ss:$0x1] =	vst.idx.msk $0xffff, v3  }
0x45: {  	p1 =	por $0x0, $0x0;
	s18 =	simm.s32 $0x1;
	[tilespmem:v0+s31+$0x0 ss:$0x1] =	vst.idx.msk $0xffff, v1  }
0x46: {  	s17 =	sadd.s32 $0x1, s17  }
0x47: {  	p0 =	sne.s32 s17, $0x8  }
.Ltmp5:
0x48: {  	_ = 	snop;
	(pc) =	sbr.rel @p0 .LBB1_3-.Ltmp5, $2  }
0x49: {  	_ =	sdelay $0x2  }
0x4a: {  	s16 =	sadd.s32 $0x2000, s16  }
.Ltmp6:
0x4b: {  	(pc) =	sbr.rel .LBB1_9-.Ltmp6, $4  }
0x4c: {  	_ = 	snop  }
0x4d: {  	s12 =	sshll.u32 s12, $0x8  }
0x4e: {  	s12 =	sadd.s32 s4, s12  }
0x4f: {  	[hbm4b:s12+s8] =	stream.linear.scatter [tilespmem:s13], [sflag:$0x2], $0x4000, $0x38;
	[tilespmem:$0x10000] =	vst v63  }
.LBB1_10:
0x50: {  	_ =	sfence.sel $0x180000  }
0x51: {  	s2 =	simm.s32 $0x1;
	[bflag:$0x0] =	sbarrier.arrive $0xFFFF  }
0x52: {  	s31 =	simm.s32 $0x2;
	[sflag:s2] =	ssyncpa.u1 $0x1  }
0x53: {  	[sflag:s31] =	ssyncpa.u1 $0x1  }
0x54: {  	p0 =	sne.s32 s0, $0x0;
	_ =	strace $0x90000047  }
0x55: {  	s0 =	sadd.s32 @!p0 $0x100000, s1;
	[bflag:$0x2] =	sbarrier.arrive $0xFFFF  }
0x56: {  	[sflag:s0] =	ssyncadd.tile.s32 @!p0 $0x1;
	_ =	shalt  }
.Lfunc_end1:
_tile_overlayer_lowered:
.L_overlay_start_2:
0x57: {  	(tag) =	ssettag $0x2  }
0x58: {  	s0 =	rddreg [dreg:$0x0];
	s2 =	stileid.u32  }
0x59: {  	s1 =	rddreg [dreg:$0x1];
	p0 =	sne.s32 s2, $0x0  }
0x5a: {  	s3 =	rddreg [dreg:$0x2];
	[bflag:$0x3] =	sbarrier.arrive $0xFFFF;
	s2 =	simm.s32 @!p0 $0x1C01  }
0x5b: {  	[timem:s3], [sflag:s2] =	dma.local @!p0 [hbm:s0], s1  }
0x5c: {  	s0 =	simm.s32 @!p0 $0x1  }
0x5d: {  	_ =	swait.ge @!p0 [sflag:s0], s1  }
0x5e: {  	s1 =	ssub.s32 @!p0 $0x0, s1;
	[sflag:s0] =	ssyncset.done @!p0 $0x0  }
0x5f: {  	[sflag:s0] =	ssyncadd.s32 @!p0 s1  }
0x60: {  	[bflag:$0x3] =	sbarrier.arrive $0xFFFF  }
0x61: {  	_ =	shalt  }

</sc_bundles>
